<compile_context>
chip_gen: v7x
topology: tpu7x:2x2x1
jax: 0.10.2.dev20260603
libtpu: 0.0.44.dev20260713+nightly
codegen_flags: <defaults>
</compile_context>

<pallas_src>
import functools

import jax
import jax.numpy as jnp
from jax import lax
from jax.experimental import pallas as pl
from jax.experimental.pallas import tpu as pltpu
from jax.experimental.pallas import tpu_sc as plsc

N = 10000
E = 320000
F = 128
NENV = 4
NP = 10240
NSC = 2
NTILE = 16
TPE = E // (NSC * NTILE)
CH = 80
NCHUNK = TPE // CH
RPT = NP // NTILE

_MESH = plsc.VectorSubcoreMesh(core_axis_name="c", subcore_axis_name="s")


def _zero_vmem_2d(ref, nrows, ncols):
    z = jnp.zeros((16,), jnp.float32)
    cpr = ncols // 16

    def body(i, _):
        r = i // cpr
        c = i % cpr
        ref[r, pl.ds(c * 16, 16)] = z
        return 0

    lax.fori_loop(0, nrows * cpr, body, 0)


def _zero_vmem_1d(ref, n):
    z = jnp.zeros((16,), jnp.float32)

    def body(i, _):
        ref[pl.ds(i * 16, 16)] = z
        return 0

    lax.fori_loop(0, n // 16, body, 0)


@functools.partial(
    pl.kernel,
    out_type=jax.ShapeDtypeStruct((NSC, NP), jnp.float32),
    mesh=_MESH,
    scratch_types=[
        pltpu.VMEM((NCHUNK, CH), jnp.int32),
        pltpu.VMEM((CH,), jnp.float32),
        pltpu.VMEM((RPT,), jnp.float32),
        pltpu.VMEM_SHARED((NP,), jnp.float32),
        pltpu.SemaphoreType.DMA,
    ],
)
def _deg_kernel(adj_hbm, out_hbm, cidx_v, ones_v, zbuf_v, deg_sh, sem):
    cid = lax.axis_index("c")
    sid = lax.axis_index("s")
    tile = cid * NTILE + sid

    _zero_vmem_1d(zbuf_v, RPT)
    o = jnp.ones((16,), jnp.float32)
    for i in range(CH // 16):
        ones_v[pl.ds(i * 16, 16)] = o
    pltpu.sync_copy(adj_hbm.at[1, tile], cidx_v)
    pltpu.sync_copy(zbuf_v, deg_sh.at[pl.ds(sid * RPT, RPT)])
    plsc.subcore_barrier()

    def fire(i, _):
        pltpu.async_copy(ones_v, deg_sh.at[cidx_v.at[i]], sem, add=True)
        return 0

    lax.fori_loop(0, NCHUNK, fire, 0)

    def drain(i, _):
        pltpu.make_async_copy(ones_v, deg_sh.at[cidx_v.at[0]], sem).wait()
        return 0

    lax.fori_loop(0, NCHUNK, drain, 0)
    plsc.subcore_barrier()
    pltpu.sync_copy(deg_sh.at[pl.ds(sid * RPT, RPT)],
                    out_hbm.at[cid, pl.ds(sid * RPT, RPT)])


def _prep_body(deg_ref, x_ref, xs_ref):
    d = deg_ref[0] + deg_ref[1]
    dis = jnp.where(d > 0.0, lax.rsqrt(jnp.maximum(d, 1e-30)), 0.0)
    xs_ref[...] = x_ref[...] * dis


def _prep(deg2, x):
    blk = 2000
    grid = N // blk
    return pl.pallas_call(
        _prep_body,
        grid=(grid,),
        in_specs=[
            pl.BlockSpec((NSC, blk, 1), lambda i: (0, i, 0)),
            pl.BlockSpec((blk, F), lambda i: (i, 0)),
        ],
        out_specs=pl.BlockSpec((blk, F), lambda i: (i, 0)),
        out_shape=jax.ShapeDtypeStruct((N, F), jnp.float32),
    )(deg2, x)


@functools.partial(
    pl.kernel,
    out_type=jax.ShapeDtypeStruct((NSC, NP, F), jnp.float32),
    mesh=_MESH,
    scratch_types=[
        pltpu.VMEM((NCHUNK, CH), jnp.int32),
        pltpu.VMEM((CH,), jnp.int32),
        pltpu.VMEM((CH,), jnp.int32),
        pltpu.VMEM((CH,), jnp.int32),
        pltpu.VMEM((CH, F), jnp.float32),
        pltpu.VMEM((CH, F), jnp.float32),
        pltpu.VMEM((CH, F), jnp.float32),
        pltpu.VMEM_SHARED((NP, F), jnp.float32),
        pltpu.SemaphoreType.DMA,
        pltpu.SemaphoreType.DMA,
        pltpu.SemaphoreType.DMA,
        pltpu.SemaphoreType.DMA,
        pltpu.SemaphoreType.DMA,
        pltpu.SemaphoreType.DMA,
    ],
)
def _scatter_kernel(adj_hbm, xs_hbm, out_hbm,
                    ridx_v, cidx0_v, cidx1_v, cidx2_v,
                    rows0_v, rows1_v, rows2_v, acc_sh,
                    gsem0, gsem1, gsem2, csem0, csem1, csem2):
    cid = lax.axis_index("c")
    sid = lax.axis_index("s")
    tile = cid * NTILE + sid

    _zero_vmem_2d(rows0_v, CH, F)
    pltpu.sync_copy(adj_hbm.at[0, tile], ridx_v)
    for j in range(RPT // CH):
        pltpu.sync_copy(rows0_v, acc_sh.at[pl.ds(sid * RPT + j * CH, CH)])
    plsc.subcore_barrier()

    rbufs = (rows0_v, rows1_v, rows2_v)
    gsems = (gsem0, gsem1, gsem2)
    cbufs = (cidx0_v, cidx1_v, cidx2_v)
    csems = (csem0, csem1, csem2)

    def start_gather(i, b):
        pltpu.async_copy(xs_hbm.at[ridx_v.at[i]], rbufs[b], gsems[b])

    def wait_gather(i, b):
        pltpu.make_async_copy(xs_hbm.at[ridx_v.at[i]], rbufs[b], gsems[b]).wait()

    def start_cidx(i, b):
        pltpu.async_copy(adj_hbm.at[1, tile, i], cbufs[b], csems[b])

    def wait_cidx(i, b):
        pltpu.make_async_copy(adj_hbm.at[1, tile, i], cbufs[b], csems[b]).wait()

    start_cidx(0, 0)
    start_cidx(1, 1)
    start_gather(0, 0)
    start_gather(1, 1)

    def body(g, _):
        for b in range(3):
            i = g * 3 + b
            b2 = (b + 2) % 3

            @pl.when(i < NCHUNK)
            def _():
                wait_gather(i, b)

                @pl.when(i + 2 < NCHUNK)
                def _():
                    start_gather(i + 2, b2)
                    start_cidx(i + 2, b2)

                wait_cidx(i, b)
                pltpu.sync_copy(rbufs[b], acc_sh.at[cbufs[b]], add=True)
        return 0

    lax.fori_loop(0, (NCHUNK + 2) // 3, body, 0)
    plsc.subcore_barrier()
    pltpu.sync_copy(acc_sh.at[pl.ds(sid * RPT, RPT)],
                    out_hbm.at[cid, pl.ds(sid * RPT, RPT)])


def _xpart_body(x_ref, ew_ref, w2_ref, out_ref):
    xv = x_ref[...]
    Bm = jnp.dot(xv, w2_ref[...], preferred_element_type=jnp.float32)
    o = xv
    for e in range(NENV):
        o = o + ew_ref[:, e:e + 1] * Bm[:, F * e:F * (e + 1)]
    out_ref[...] = o


def _xpart(x, ew, w2):
    blk = 2000
    grid = N // blk
    return pl.pallas_call(
        _xpart_body,
        grid=(grid,),
        in_specs=[
            pl.BlockSpec((blk, F), lambda i: (i, 0)),
            pl.BlockSpec((blk, NENV), lambda i: (i, 0)),
            pl.BlockSpec((F, NENV * F), lambda i: (0, 0)),
        ],
        out_specs=pl.BlockSpec((blk, F), lambda i: (i, 0)),
        out_shape=jax.ShapeDtypeStruct((N, F), jnp.float32),
    )(x, ew, w2)


def _final_body(acc_ref, deg_ref, o0_ref, ew_ref, w1_ref, out_ref):
    a = acc_ref[0] + acc_ref[1]
    d = deg_ref[0] + deg_ref[1]
    dis = jnp.where(d > 0.0, lax.rsqrt(jnp.maximum(d, 1e-30)), 0.0)
    A = jnp.dot(a, w1_ref[...], preferred_element_type=jnp.float32)
    o = o0_ref[...]
    for e in range(NENV):
        o = o + (ew_ref[:, e:e + 1] * dis) * A[:, F * e:F * (e + 1)]
    out_ref[...] = o


def _final(acc2, deg2, o0, ew, w1):
    blk = 2000
    grid = N // blk
    return pl.pallas_call(
        _final_body,
        grid=(grid,),
        in_specs=[
            pl.BlockSpec((NSC, blk, F), lambda i: (0, i, 0)),
            pl.BlockSpec((NSC, blk, 1), lambda i: (0, i, 0)),
            pl.BlockSpec((blk, F), lambda i: (i, 0)),
            pl.BlockSpec((blk, NENV), lambda i: (i, 0)),
            pl.BlockSpec((F, NENV * F), lambda i: (0, 0)),
        ],
        out_specs=pl.BlockSpec((blk, F), lambda i: (i, 0)),
        out_shape=jax.ShapeDtypeStruct((N, F), jnp.float32),
    )(acc2, deg2, o0, ew, w1)


def kernel(x, adj, env_weights, weights):
    adjr = adj.astype(jnp.int32).reshape(2, NSC * NTILE, NCHUNK, CH)

    deg2 = _deg_kernel(adjr)
    deg3 = deg2.reshape(NSC, NP, 1)
    xs = _prep(deg3, x)
    acc2 = _scatter_kernel(adjr, xs)

    w1 = jnp.transpose(weights[:, :F, :], (1, 0, 2)).reshape(F, NENV * F)
    w2 = jnp.transpose(weights[:, F:, :], (1, 0, 2)).reshape(F, NENV * F)
    o0 = _xpart(x, env_weights, w2)
    return _final(acc2, deg3, o0, env_weights, w1)

# --- scband reference (transcript-rebuilt; emitter-appended) ---
"""Pipeline reference for scband-ca-net-conv-12970801234191 (READ-ONLY COPY).

The authoritative reference and input builder live on the scoring server;
editing this copy changes nothing except your own understanding.
"""

import jax, jax.numpy as jnp
import numpy as np
import math

N_NODES = 10000
N_EDGES = 320000
IN_FEAT = 128
OUT_FEAT = 128
NUM_ENVS = 4


def setup_inputs(seed: int = 0) -> dict:
    key = jax.random.key(seed)
    k1, k2, k3, k4 = jax.random.split(key, 4)
    x = jax.random.normal(k1, (N_NODES, IN_FEAT), dtype=jnp.float32)
    adj = jax.random.randint(k2, (2, N_EDGES), 0, N_NODES, dtype=jnp.int64)
    env_weights = jax.random.uniform(k3, (N_NODES, NUM_ENVS), dtype=jnp.float32)
    stdv = 1.0 / math.sqrt(OUT_FEAT)
    weights = jax.random.uniform(
        k4, (NUM_ENVS, IN_FEAT * 2, OUT_FEAT), dtype=jnp.float32,
        minval=-stdv, maxval=stdv)
    return {"x": x, "adj": adj, "env_weights": env_weights, "weights": weights}


def gcn_conv(x, edge_index):
    num_nodes = x.shape[0]
    row = edge_index[0]
    col = edge_index[1]
    deg = jnp.bincount(col, length=num_nodes).astype(x.dtype)
    deg_in = jnp.sqrt(1.0 / deg[col])
    deg_out = jnp.sqrt(1.0 / deg[row])
    value = jnp.ones_like(row, dtype=x.dtype) * deg_in * deg_out
    value = jnp.nan_to_num(value, nan=0.0, posinf=0.0, neginf=0.0)
    # SparseTensor(row=col, col=row, value) @ x  ==  scatter-add value*x[row] into col
    msgs = value[:, None] * x[row]
    return jax.ops.segment_sum(msgs, col, num_segments=num_nodes)


def reference(x, adj, env_weights, weights):
    num_envs = weights.shape[0]
    hi = gcn_conv(x, adj)                     # [N, in]
    hi = jnp.concatenate([hi, x], axis=1)     # [N, 2*in]
    hi_rep = jnp.broadcast_to(hi[None, :, :], (num_envs,) + hi.shape)
    outputs = jnp.matmul(hi_rep, weights)     # [E, N, out]
    outputs = jnp.transpose(outputs, (1, 0, 2))  # [N, E, out]
    envs = jnp.repeat(env_weights[:, :, None], outputs.shape[2], axis=2)
    output = jnp.sum(envs * outputs, axis=1)  # [N, out]
    output = output + x                       # residual
    return output

if __name__ == "__main__":
    import jax
    _d = setup_inputs()
    print(jax.jit(kernel)(*tuple(_d.values())))

</pallas_src>

<mosaic_0001>
#map = affine_map<(d0, d1) -> (0, 0, 0, 0)>
#map1 = affine_map<(d0, d1) -> (0, 0)>
#map2 = affine_map<(d0, d1) -> (0, 0, 0)>
module attributes {stable_mosaic.version = 14 : i64} {
  func.func @_scatter_kernel(%arg0: i32, %arg1: i32, %arg2: memref<2x32x125x80xi32, #tpu.memory_space<hbm>>, %arg3: memref<10000x128xf32, #tpu.memory_space<hbm>>, %arg4: memref<2x10240x128xf32, #tpu.memory_space<hbm>>, %arg5: memref<125x80xi32, #tpu.memory_space<vmem>>, %arg6: memref<80xi32, #tpu.memory_space<vmem>>, %arg7: memref<80xi32, #tpu.memory_space<vmem>>, %arg8: memref<80xi32, #tpu.memory_space<vmem>>, %arg9: memref<80x128xf32, #tpu.memory_space<vmem>>, %arg10: memref<80x128xf32, #tpu.memory_space<vmem>>, %arg11: memref<80x128xf32, #tpu.memory_space<vmem>>, %arg12: memref<10240x128xf32, #tpu.memory_space<vmem_shared>>, %arg13: memref<!tpu.dma_semaphore, #tpu.memory_space<semaphore_mem>>, %arg14: memref<!tpu.dma_semaphore, #tpu.memory_space<semaphore_mem>>, %arg15: memref<!tpu.dma_semaphore, #tpu.memory_space<semaphore_mem>>, %arg16: memref<!tpu.dma_semaphore, #tpu.memory_space<semaphore_mem>>, %arg17: memref<!tpu.dma_semaphore, #tpu.memory_space<semaphore_mem>>, %arg18: memref<!tpu.dma_semaphore, #tpu.memory_space<semaphore_mem>>) attributes {dimension_semantics = [#tpu.dimension_semantics<core_parallel>, #tpu.dimension_semantics<subcore_parallel>], iteration_bounds = array<i64: 2, 16>, scalar_prefetch = 0 : i64, scratch_operands = 14 : i64, tpu.core_type = #tpu.core_type<sc_vector_subcore>, window_params = [{transform_indices = #map}, {transform_indices = #map1}, {transform_indices = #map2}]} {
    %mul3A = arith.constant 16 : i32
    %mul3A_0 = arith.muli %arg0, %mul3A : i32
    %add3A = arith.addi %mul3A_0, %arg1 : i32
    %broadcast_in_dim3A = arith.constant 0.000000e+00 : f32
    %broadcast_in_dim3A_1 = vector.broadcast %broadcast_in_dim3A : f32 to vector<16xf32>
    %scan3A = arith.constant 0 : i32
    %scan3A_2 = arith.constant 0 : i32
    %scan3A_3 = arith.constant 640 : i32
    %scan3A_4 = arith.addi %scan3A_2, %scan3A_3 : i32
    %scan3A_5 = arith.constant 1 : i32
    %scan3A_6 = scf.for %scan3A_81 = %scan3A_2 to %scan3A_4 step %scan3A_5 iter_args(%scan3A_82 = %scan3A) -> (i32)  : i32 {
      %jit3A = arith.constant 8 : i32
      %div3A = arith.divsi %scan3A_81, %jit3A : i32
      %sign3A = arith.constant 0 : i32
      %sign3A_83 = arith.cmpi sgt, %scan3A_81, %sign3A : i32
      %sign3A_84 = arith.extui %sign3A_83 : i1 to i32
      %sign3A_85 = arith.constant 0 : i32
      %sign3A_86 = arith.cmpi slt, %scan3A_81, %sign3A_85 : i32
      %sign3A_87 = arith.extui %sign3A_86 : i1 to i32
      %sign3A_88 = arith.subi %sign3A_84, %sign3A_87 : i32
      %sign3A_89 = arith.constant 0 : i32
      %sign3A_90 = arith.cmpi sgt, %jit3A, %sign3A_89 : i32
      %sign3A_91 = arith.extui %sign3A_90 : i1 to i32
      %sign3A_92 = arith.constant 0 : i32
      %sign3A_93 = arith.cmpi slt, %jit3A, %sign3A_92 : i32
      %sign3A_94 = arith.extui %sign3A_93 : i1 to i32
      %sign3A_95 = arith.subi %sign3A_91, %sign3A_94 : i32
      %ne3A = arith.cmpi ne, %sign3A_88, %sign3A_95 : i32
      %rem3A = arith.remsi %scan3A_81, %jit3A : i32
      %ne3A_96 = arith.constant 0 : i32
      %ne3A_97 = arith.cmpi ne, %rem3A, %ne3A_96 : i32
      %and3A = arith.andi %ne3A, %ne3A_97 : i1
      %sub3A = arith.constant 1 : i32
      %sub3A_98 = arith.subi %div3A, %sub3A : i32
      %select_n3A = arith.select %and3A, %sub3A_98, %div3A : i32
      %jit3A_99 = arith.constant 8 : i32
      %eq3A = arith.constant 0 : i32
      %eq3A_100 = arith.cmpi eq, %jit3A_99, %eq3A : i32
      %jit3A_101 = arith.constant 1 : i32
      %select_n3A_102 = arith.select %eq3A_100, %jit3A_101, %jit3A_99 : i32
      %rem3A_103 = arith.remsi %scan3A_81, %select_n3A_102 : i32
      %ne3A_104 = arith.constant 0 : i32
      %ne3A_105 = arith.cmpi ne, %rem3A_103, %ne3A_104 : i32
      %lt3A = arith.constant 0 : i32
      %lt3A_106 = arith.cmpi slt, %rem3A_103, %lt3A : i32
      %lt3A_107 = arith.constant 0 : i32
      %lt3A_108 = arith.cmpi slt, %select_n3A_102, %lt3A_107 : i32
      %ne3A_109 = arith.xori %lt3A_106, %lt3A_108 : i1
      %and3A_110 = arith.andi %ne3A_109, %ne3A_105 : i1
      %add3A_111 = arith.addi %rem3A_103, %select_n3A_102 : i32
      %select_n3A_112 = arith.select %and3A_110, %add3A_111, %rem3A_103 : i32
      %mul3A_113 = arith.constant 16 : i32
      %mul3A_114 = arith.muli %select_n3A_112, %mul3A_113 : i32
      %swap3A = arith.index_cast %select_n3A : i32 to index
      %swap3A_115 = arith.index_cast %mul3A_114 : i32 to index
      %swap3A_116 = tpu.vector_load %arg9[%swap3A, %swap3A_115] {strides = array<i32>} : memref<80x128xf32, #tpu.memory_space<vmem>>, vector<1x16xf32>,
      %swap3A_117 = vector.shape_cast %swap3A_116 : vector<1x16xf32> to vector<16xf32>
      %swap3A_118 = vector.shape_cast %broadcast_in_dim3A_1 : vector<16xf32> to vector<1x16xf32>
      tpu.vector_store %arg9[%swap3A, %swap3A_115], %swap3A_118 {strides = array<i32>} : memref<80x128xf32, #tpu.memory_space<vmem>>, vector<1x16xf32>,
      %scan3A_119 = arith.constant 0 : i32
      scf.yield %scan3A_119 : i32
    }
    %scan3A_7 = arith.constant 640 : i32
    %run_scoped3A = arith.constant 0 : i32
    "tpu.region"() ({
      %run_scoped3A_81 = tpu.sem_alloc : memref<!tpu.dma_semaphore, #tpu.memory_space<semaphore_mem>>
      %dma_start3A_82 = arith.constant 0 : i32
      %dma_start3A_83 = arith.constant 0 : i32
      %dma_start3A_84 = tpu.memref_slice %arg2[%run_scoped3A, %add3A, %dma_start3A_82, %dma_start3A_83] : memref<2x32x125x80xi32, #tpu.memory_space<hbm>> -> memref<1x1x125x80xi32, #tpu.memory_space<hbm>>
      %dma_start3A_85 = tpu.memref_squeeze %dma_start3A_84 : memref<1x1x125x80xi32, #tpu.memory_space<hbm>> -> memref<125x80xi32, #tpu.memory_space<hbm>>
      %dma_start3A_86 = arith.constant 0 : i32
      %dma_start3A_87 = arith.constant 0 : i32
      %dma_start3A_88 = tpu.memref_slice %arg2[%run_scoped3A, %add3A, %dma_start3A_86, %dma_start3A_87] : memref<2x32x125x80xi32, #tpu.memory_space<hbm>> -> memref<1x1x125x80xi32, #tpu.memory_space<hbm>>
      %dma_start3A_89 = tpu.memref_squeeze %dma_start3A_88 : memref<1x1x125x80xi32, #tpu.memory_space<hbm>> -> memref<125x80xi32, #tpu.memory_space<hbm>>
      tpu.enqueue_dma source(%dma_start3A_89 : memref<125x80xi32, #tpu.memory_space<hbm>>) target(%arg5 : memref<125x80xi32, #tpu.memory_space<vmem>>) target_semaphore(%run_scoped3A_81 : memref<!tpu.dma_semaphore, #tpu.memory_space<semaphore_mem>>)
      %dma_wait3A = arith.constant 0 : i32
      %dma_wait3A_90 = arith.constant 0 : i32
      %dma_wait3A_91 = tpu.memref_slice %arg2[%run_scoped3A, %add3A, %dma_wait3A, %dma_wait3A_90] : memref<2x32x125x80xi32, #tpu.memory_space<hbm>> -> memref<1x1x125x80xi32, #tpu.memory_space<hbm>>
      %dma_wait3A_92 = tpu.memref_squeeze %dma_wait3A_91 : memref<1x1x125x80xi32, #tpu.memory_space<hbm>> -> memref<125x80xi32, #tpu.memory_space<hbm>>
      %dma_wait3A_93 = arith.constant 0 : i32
      %dma_wait3A_94 = arith.constant 0 : i32
      %dma_wait3A_95 = tpu.memref_slice %arg2[%run_scoped3A, %add3A, %dma_wait3A_93, %dma_wait3A_94] : memref<2x32x125x80xi32, #tpu.memory_space<hbm>> -> memref<1x1x125x80xi32, #tpu.memory_space<hbm>>
      %dma_wait3A_96 = tpu.memref_squeeze %dma_wait3A_95 : memref<1x1x125x80xi32, #tpu.memory_space<hbm>> -> memref<125x80xi32, #tpu.memory_space<hbm>>
      tpu.wait_dma2 semaphore(%run_scoped3A_81 : memref<!tpu.dma_semaphore, #tpu.memory_space<semaphore_mem>>) src(%dma_wait3A_96 : memref<125x80xi32, #tpu.memory_space<hbm>>) dst(%arg5 : memref<125x80xi32, #tpu.memory_space<vmem>>)
      tpu.yield
    }) : () -> ()
    %mul3A_8 = arith.constant 640 : i32
    %mul3A_9 = arith.muli %arg1, %mul3A_8 : i32
    %add3A_10 = arith.constant 0 : i32
    %add3A_11 = arith.addi %mul3A_9, %add3A_10 : i32
    "tpu.region"() ({
      %run_scoped3A_81 = tpu.sem_alloc : memref<!tpu.dma_semaphore, #tpu.memory_space<semaphore_mem>>
      %dma_start3A_82 = arith.constant 0 : i32
      %dma_start3A_83 = tpu.memref_slice %arg12[%add3A_11, %dma_start3A_82] : memref<10240x128xf32, #tpu.memory_space<vmem_shared>> -> memref<80x128xf32, #tpu.memory_space<vmem_shared>>
      %dma_start3A_84 = arith.constant 0 : i32
      %dma_start3A_85 = tpu.memref_slice %arg12[%add3A_11, %dma_start3A_84] : memref<10240x128xf32, #tpu.memory_space<vmem_shared>> -> memref<80x128xf32, #tpu.memory_space<vmem_shared>>
      tpu.enqueue_dma source(%arg9 : memref<80x128xf32, #tpu.memory_space<vmem>>) target(%dma_start3A_85 : memref<80x128xf32, #tpu.memory_space<vmem_shared>>) target_semaphore(%run_scoped3A_81 : memref<!tpu.dma_semaphore, #tpu.memory_space<semaphore_mem>>)
      %dma_wait3A = arith.constant 0 : i32
      %dma_wait3A_86 = tpu.memref_slice %arg12[%add3A_11, %dma_wait3A] : memref<10240x128xf32, #tpu.memory_space<vmem_shared>> -> memref<80x128xf32, #tpu.memory_space<vmem_shared>>
      %dma_wait3A_87 = arith.constant 0 : i32
      %dma_wait3A_88 = tpu.memref_slice %arg12[%add3A_11, %dma_wait3A_87] : memref<10240x128xf32, #tpu.memory_space<vmem_shared>> -> memref<80x128xf32, #tpu.memory_space<vmem_shared>>
      tpu.wait_dma2 semaphore(%run_scoped3A_81 : memref<!tpu.dma_semaphore, #tpu.memory_space<semaphore_mem>>) src(%arg9 : memref<80x128xf32, #tpu.memory_space<vmem>>) dst(%dma_wait3A_88 : memref<80x128xf32, #tpu.memory_space<vmem_shared>>)
      tpu.yield
    }) : () -> ()
    %mul3A_12 = arith.constant 640 : i32
    %mul3A_13 = arith.muli %arg1, %mul3A_12 : i32
    %add3A_14 = arith.constant 80 : i32
    %add3A_15 = arith.addi %mul3A_13, %add3A_14 : i32
    "tpu.region"() ({
      %run_scoped3A_81 = tpu.sem_alloc : memref<!tpu.dma_semaphore, #tpu.memory_space<semaphore_mem>>
      %dma_start3A_82 = arith.constant 0 : i32
      %dma_start3A_83 = tpu.memref_slice %arg12[%add3A_15, %dma_start3A_82] : memref<10240x128xf32, #tpu.memory_space<vmem_shared>> -> memref<80x128xf32, #tpu.memory_space<vmem_shared>>
      %dma_start3A_84 = arith.constant 0 : i32
      %dma_start3A_85 = tpu.memref_slice %arg12[%add3A_15, %dma_start3A_84] : memref<10240x128xf32, #tpu.memory_space<vmem_shared>> -> memref<80x128xf32, #tpu.memory_space<vmem_shared>>
      tpu.enqueue_dma source(%arg9 : memref<80x128xf32, #tpu.memory_space<vmem>>) target(%dma_start3A_85 : memref<80x128xf32, #tpu.memory_space<vmem_shared>>) target_semaphore(%run_scoped3A_81 : memref<!tpu.dma_semaphore, #tpu.memory_space<semaphore_mem>>)
      %dma_wait3A = arith.constant 0 : i32
      %dma_wait3A_86 = tpu.memref_slice %arg12[%add3A_15, %dma_wait3A] : memref<10240x128xf32, #tpu.memory_space<vmem_shared>> -> memref<80x128xf32, #tpu.memory_space<vmem_shared>>
      %dma_wait3A_87 = arith.constant 0 : i32
      %dma_wait3A_88 = tpu.memref_slice %arg12[%add3A_15, %dma_wait3A_87] : memref<10240x128xf32, #tpu.memory_space<vmem_shared>> -> memref<80x128xf32, #tpu.memory_space<vmem_shared>>
      tpu.wait_dma2 semaphore(%run_scoped3A_81 : memref<!tpu.dma_semaphore, #tpu.memory_space<semaphore_mem>>) src(%arg9 : memref<80x128xf32, #tpu.memory_space<vmem>>) dst(%dma_wait3A_88 : memref<80x128xf32, #tpu.memory_space<vmem_shared>>)
      tpu.yield
    }) : () -> ()
    %mul3A_16 = arith.constant 640 : i32
    %mul3A_17 = arith.muli %arg1, %mul3A_16 : i32
    %add3A_18 = arith.constant 160 : i32
    %add3A_19 = arith.addi %mul3A_17, %add3A_18 : i32
    "tpu.region"() ({
      %run_scoped3A_81 = tpu.sem_alloc : memref<!tpu.dma_semaphore, #tpu.memory_space<semaphore_mem>>
      %dma_start3A_82 = arith.constant 0 : i32
      %dma_start3A_83 = tpu.memref_slice %arg12[%add3A_19, %dma_start3A_82] : memref<10240x128xf32, #tpu.memory_space<vmem_shared>> -> memref<80x128xf32, #tpu.memory_space<vmem_shared>>
      %dma_start3A_84 = arith.constant 0 : i32
      %dma_start3A_85 = tpu.memref_slice %arg12[%add3A_19, %dma_start3A_84] : memref<10240x128xf32, #tpu.memory_space<vmem_shared>> -> memref<80x128xf32, #tpu.memory_space<vmem_shared>>
      tpu.enqueue_dma source(%arg9 : memref<80x128xf32, #tpu.memory_space<vmem>>) target(%dma_start3A_85 : memref<80x128xf32, #tpu.memory_space<vmem_shared>>) target_semaphore(%run_scoped3A_81 : memref<!tpu.dma_semaphore, #tpu.memory_space<semaphore_mem>>)
      %dma_wait3A = arith.constant 0 : i32
      %dma_wait3A_86 = tpu.memref_slice %arg12[%add3A_19, %dma_wait3A] : memref<10240x128xf32, #tpu.memory_space<vmem_shared>> -> memref<80x128xf32, #tpu.memory_space<vmem_shared>>
      %dma_wait3A_87 = arith.constant 0 : i32
      %dma_wait3A_88 = tpu.memref_slice %arg12[%add3A_19, %dma_wait3A_87] : memref<10240x128xf32, #tpu.memory_space<vmem_shared>> -> memref<80x128xf32, #tpu.memory_space<vmem_shared>>
      tpu.wait_dma2 semaphore(%run_scoped3A_81 : memref<!tpu.dma_semaphore, #tpu.memory_space<semaphore_mem>>) src(%arg9 : memref<80x128xf32, #tpu.memory_space<vmem>>) dst(%dma_wait3A_88 : memref<80x128xf32, #tpu.memory_space<vmem_shared>>)
      tpu.yield
    }) : () -> ()
    %mul3A_20 = arith.constant 640 : i32
    %mul3A_21 = arith.muli %arg1, %mul3A_20 : i32
    %add3A_22 = arith.constant 240 : i32
    %add3A_23 = arith.addi %mul3A_21, %add3A_22 : i32
    "tpu.region"() ({
      %run_scoped3A_81 = tpu.sem_alloc : memref<!tpu.dma_semaphore, #tpu.memory_space<semaphore_mem>>
      %dma_start3A_82 = arith.constant 0 : i32
      %dma_start3A_83 = tpu.memref_slice %arg12[%add3A_23, %dma_start3A_82] : memref<10240x128xf32, #tpu.memory_space<vmem_shared>> -> memref<80x128xf32, #tpu.memory_space<vmem_shared>>
      %dma_start3A_84 = arith.constant 0 : i32
      %dma_start3A_85 = tpu.memref_slice %arg12[%add3A_23, %dma_start3A_84] : memref<10240x128xf32, #tpu.memory_space<vmem_shared>> -> memref<80x128xf32, #tpu.memory_space<vmem_shared>>
      tpu.enqueue_dma source(%arg9 : memref<80x128xf32, #tpu.memory_space<vmem>>) target(%dma_start3A_85 : memref<80x128xf32, #tpu.memory_space<vmem_shared>>) target_semaphore(%run_scoped3A_81 : memref<!tpu.dma_semaphore, #tpu.memory_space<semaphore_mem>>)
      %dma_wait3A = arith.constant 0 : i32
      %dma_wait3A_86 = tpu.memref_slice %arg12[%add3A_23, %dma_wait3A] : memref<10240x128xf32, #tpu.memory_space<vmem_shared>> -> memref<80x128xf32, #tpu.memory_space<vmem_shared>>
      %dma_wait3A_87 = arith.constant 0 : i32
      %dma_wait3A_88 = tpu.memref_slice %arg12[%add3A_23, %dma_wait3A_87] : memref<10240x128xf32, #tpu.memory_space<vmem_shared>> -> memref<80x128xf32, #tpu.memory_space<vmem_shared>>
      tpu.wait_dma2 semaphore(%run_scoped3A_81 : memref<!tpu.dma_semaphore, #tpu.memory_space<semaphore_mem>>) src(%arg9 : memref<80x128xf32, #tpu.memory_space<vmem>>) dst(%dma_wait3A_88 : memref<80x128xf32, #tpu.memory_space<vmem_shared>>)
      tpu.yield
    }) : () -> ()
    %mul3A_24 = arith.constant 640 : i32
    %mul3A_25 = arith.muli %arg1, %mul3A_24 : i32
    %add3A_26 = arith.constant 320 : i32
    %add3A_27 = arith.addi %mul3A_25, %add3A_26 : i32
    "tpu.region"() ({
      %run_scoped3A_81 = tpu.sem_alloc : memref<!tpu.dma_semaphore, #tpu.memory_space<semaphore_mem>>
      %dma_start3A_82 = arith.constant 0 : i32
      %dma_start3A_83 = tpu.memref_slice %arg12[%add3A_27, %dma_start3A_82] : memref<10240x128xf32, #tpu.memory_space<vmem_shared>> -> memref<80x128xf32, #tpu.memory_space<vmem_shared>>
      %dma_start3A_84 = arith.constant 0 : i32
      %dma_start3A_85 = tpu.memref_slice %arg12[%add3A_27, %dma_start3A_84] : memref<10240x128xf32, #tpu.memory_space<vmem_shared>> -> memref<80x128xf32, #tpu.memory_space<vmem_shared>>
      tpu.enqueue_dma source(%arg9 : memref<80x128xf32, #tpu.memory_space<vmem>>) target(%dma_start3A_85 : memref<80x128xf32, #tpu.memory_space<vmem_shared>>) target_semaphore(%run_scoped3A_81 : memref<!tpu.dma_semaphore, #tpu.memory_space<semaphore_mem>>)
      %dma_wait3A = arith.constant 0 : i32
      %dma_wait3A_86 = tpu.memref_slice %arg12[%add3A_27, %dma_wait3A] : memref<10240x128xf32, #tpu.memory_space<vmem_shared>> -> memref<80x128xf32, #tpu.memory_space<vmem_shared>>
      %dma_wait3A_87 = arith.constant 0 : i32
      %dma_wait3A_88 = tpu.memref_slice %arg12[%add3A_27, %dma_wait3A_87] : memref<10240x128xf32, #tpu.memory_space<vmem_shared>> -> memref<80x128xf32, #tpu.memory_space<vmem_shared>>
      tpu.wait_dma2 semaphore(%run_scoped3A_81 : memref<!tpu.dma_semaphore, #tpu.memory_space<semaphore_mem>>) src(%arg9 : memref<80x128xf32, #tpu.memory_space<vmem>>) dst(%dma_wait3A_88 : memref<80x128xf32, #tpu.memory_space<vmem_shared>>)
      tpu.yield
    }) : () -> ()
    %mul3A_28 = arith.constant 640 : i32
    %mul3A_29 = arith.muli %arg1, %mul3A_28 : i32
    %add3A_30 = arith.constant 400 : i32
    %add3A_31 = arith.addi %mul3A_29, %add3A_30 : i32
    "tpu.region"() ({
      %run_scoped3A_81 = tpu.sem_alloc : memref<!tpu.dma_semaphore, #tpu.memory_space<semaphore_mem>>
      %dma_start3A_82 = arith.constant 0 : i32
      %dma_start3A_83 = tpu.memref_slice %arg12[%add3A_31, %dma_start3A_82] : memref<10240x128xf32, #tpu.memory_space<vmem_shared>> -> memref<80x128xf32, #tpu.memory_space<vmem_shared>>
      %dma_start3A_84 = arith.constant 0 : i32
      %dma_start3A_85 = tpu.memref_slice %arg12[%add3A_31, %dma_start3A_84] : memref<10240x128xf32, #tpu.memory_space<vmem_shared>> -> memref<80x128xf32, #tpu.memory_space<vmem_shared>>
      tpu.enqueue_dma source(%arg9 : memref<80x128xf32, #tpu.memory_space<vmem>>) target(%dma_start3A_85 : memref<80x128xf32, #tpu.memory_space<vmem_shared>>) target_semaphore(%run_scoped3A_81 : memref<!tpu.dma_semaphore, #tpu.memory_space<semaphore_mem>>)
      %dma_wait3A = arith.constant 0 : i32
      %dma_wait3A_86 = tpu.memref_slice %arg12[%add3A_31, %dma_wait3A] : memref<10240x128xf32, #tpu.memory_space<vmem_shared>> -> memref<80x128xf32, #tpu.memory_space<vmem_shared>>
      %dma_wait3A_87 = arith.constant 0 : i32
      %dma_wait3A_88 = tpu.memref_slice %arg12[%add3A_31, %dma_wait3A_87] : memref<10240x128xf32, #tpu.memory_space<vmem_shared>> -> memref<80x128xf32, #tpu.memory_space<vmem_shared>>
      tpu.wait_dma2 semaphore(%run_scoped3A_81 : memref<!tpu.dma_semaphore, #tpu.memory_space<semaphore_mem>>) src(%arg9 : memref<80x128xf32, #tpu.memory_space<vmem>>) dst(%dma_wait3A_88 : memref<80x128xf32, #tpu.memory_space<vmem_shared>>)
      tpu.yield
    }) : () -> ()
    %mul3A_32 = arith.constant 640 : i32
    %mul3A_33 = arith.muli %arg1, %mul3A_32 : i32
    %add3A_34 = arith.constant 480 : i32
    %add3A_35 = arith.addi %mul3A_33, %add3A_34 : i32
    "tpu.region"() ({
      %run_scoped3A_81 = tpu.sem_alloc : memref<!tpu.dma_semaphore, #tpu.memory_space<semaphore_mem>>
      %dma_start3A_82 = arith.constant 0 : i32
      %dma_start3A_83 = tpu.memref_slice %arg12[%add3A_35, %dma_start3A_82] : memref<10240x128xf32, #tpu.memory_space<vmem_shared>> -> memref<80x128xf32, #tpu.memory_space<vmem_shared>>
      %dma_start3A_84 = arith.constant 0 : i32
      %dma_start3A_85 = tpu.memref_slice %arg12[%add3A_35, %dma_start3A_84] : memref<10240x128xf32, #tpu.memory_space<vmem_shared>> -> memref<80x128xf32, #tpu.memory_space<vmem_shared>>
      tpu.enqueue_dma source(%arg9 : memref<80x128xf32, #tpu.memory_space<vmem>>) target(%dma_start3A_85 : memref<80x128xf32, #tpu.memory_space<vmem_shared>>) target_semaphore(%run_scoped3A_81 : memref<!tpu.dma_semaphore, #tpu.memory_space<semaphore_mem>>)
      %dma_wait3A = arith.constant 0 : i32
      %dma_wait3A_86 = tpu.memref_slice %arg12[%add3A_35, %dma_wait3A] : memref<10240x128xf32, #tpu.memory_space<vmem_shared>> -> memref<80x128xf32, #tpu.memory_space<vmem_shared>>
      %dma_wait3A_87 = arith.constant 0 : i32
      %dma_wait3A_88 = tpu.memref_slice %arg12[%add3A_35, %dma_wait3A_87] : memref<10240x128xf32, #tpu.memory_space<vmem_shared>> -> memref<80x128xf32, #tpu.memory_space<vmem_shared>>
      tpu.wait_dma2 semaphore(%run_scoped3A_81 : memref<!tpu.dma_semaphore, #tpu.memory_space<semaphore_mem>>) src(%arg9 : memref<80x128xf32, #tpu.memory_space<vmem>>) dst(%dma_wait3A_88 : memref<80x128xf32, #tpu.memory_space<vmem_shared>>)
      tpu.yield
    }) : () -> ()
    %mul3A_36 = arith.constant 640 : i32
    %mul3A_37 = arith.muli %arg1, %mul3A_36 : i32
    %add3A_38 = arith.constant 560 : i32
    %add3A_39 = arith.addi %mul3A_37, %add3A_38 : i32
    "tpu.region"() ({
      %run_scoped3A_81 = tpu.sem_alloc : memref<!tpu.dma_semaphore, #tpu.memory_space<semaphore_mem>>
      %dma_start3A_82 = arith.constant 0 : i32
      %dma_start3A_83 = tpu.memref_slice %arg12[%add3A_39, %dma_start3A_82] : memref<10240x128xf32, #tpu.memory_space<vmem_shared>> -> memref<80x128xf32, #tpu.memory_space<vmem_shared>>
      %dma_start3A_84 = arith.constant 0 : i32
      %dma_start3A_85 = tpu.memref_slice %arg12[%add3A_39, %dma_start3A_84] : memref<10240x128xf32, #tpu.memory_space<vmem_shared>> -> memref<80x128xf32, #tpu.memory_space<vmem_shared>>
      tpu.enqueue_dma source(%arg9 : memref<80x128xf32, #tpu.memory_space<vmem>>) target(%dma_start3A_85 : memref<80x128xf32, #tpu.memory_space<vmem_shared>>) target_semaphore(%run_scoped3A_81 : memref<!tpu.dma_semaphore, #tpu.memory_space<semaphore_mem>>)
      %dma_wait3A = arith.constant 0 : i32
      %dma_wait3A_86 = tpu.memref_slice %arg12[%add3A_39, %dma_wait3A] : memref<10240x128xf32, #tpu.memory_space<vmem_shared>> -> memref<80x128xf32, #tpu.memory_space<vmem_shared>>
      %dma_wait3A_87 = arith.constant 0 : i32
      %dma_wait3A_88 = tpu.memref_slice %arg12[%add3A_39, %dma_wait3A_87] : memref<10240x128xf32, #tpu.memory_space<vmem_shared>> -> memref<80x128xf32, #tpu.memory_space<vmem_shared>>
      tpu.wait_dma2 semaphore(%run_scoped3A_81 : memref<!tpu.dma_semaphore, #tpu.memory_space<semaphore_mem>>) src(%arg9 : memref<80x128xf32, #tpu.memory_space<vmem>>) dst(%dma_wait3A_88 : memref<80x128xf32, #tpu.memory_space<vmem_shared>>)
      tpu.yield
    }) : () -> ()
    %barrier3A = arith.constant 0 : index
    tpu.barrier barrier_id(%barrier3A)
    %dma_start3A = arith.constant 1 : i32
    %dma_start3A_40 = arith.constant 0 : i32
    %dma_start3A_41 = arith.constant 0 : i32
    %dma_start3A_42 = tpu.memref_slice %arg2[%dma_start3A, %add3A, %dma_start3A_40, %dma_start3A_41] : memref<2x32x125x80xi32, #tpu.memory_space<hbm>> -> memref<1x1x1x80xi32, #tpu.memory_space<hbm>>
    %dma_start3A_43 = tpu.memref_squeeze %dma_start3A_42 : memref<1x1x1x80xi32, #tpu.memory_space<hbm>> -> memref<80xi32, #tpu.memory_space<hbm>>
    %dma_start3A_44 = arith.constant 0 : i32
    %dma_start3A_45 = tpu.memref_slice %arg2[%dma_start3A, %add3A, %dma_start3A_40, %dma_start3A_44] : memref<2x32x125x80xi32, #tpu.memory_space<hbm>> -> memref<1x1x1x80xi32, #tpu.memory_space<hbm>>
    %dma_start3A_46 = tpu.memref_squeeze %dma_start3A_45 : memref<1x1x1x80xi32, #tpu.memory_space<hbm>> -> memref<80xi32, #tpu.memory_space<hbm>>
    tpu.enqueue_dma source(%dma_start3A_46 : memref<80xi32, #tpu.memory_space<hbm>>) target(%arg6 : memref<80xi32, #tpu.memory_space<vmem>>) target_semaphore(%arg16 : memref<!tpu.dma_semaphore, #tpu.memory_space<semaphore_mem>>)
    %dma_start3A_47 = arith.constant 1 : i32
    %dma_start3A_48 = arith.constant 1 : i32
    %dma_start3A_49 = arith.constant 0 : i32
    %dma_start3A_50 = tpu.memref_slice %arg2[%dma_start3A_47, %add3A, %dma_start3A_48, %dma_start3A_49] : memref<2x32x125x80xi32, #tpu.memory_space<hbm>> -> memref<1x1x1x80xi32, #tpu.memory_space<hbm>>
    %dma_start3A_51 = tpu.memref_squeeze %dma_start3A_50 : memref<1x1x1x80xi32, #tpu.memory_space<hbm>> -> memref<80xi32, #tpu.memory_space<hbm>>
    %dma_start3A_52 = arith.constant 0 : i32
    %dma_start3A_53 = tpu.memref_slice %arg2[%dma_start3A_47, %add3A, %dma_start3A_48, %dma_start3A_52] : memref<2x32x125x80xi32, #tpu.memory_space<hbm>> -> memref<1x1x1x80xi32, #tpu.memory_space<hbm>>
    %dma_start3A_54 = tpu.memref_squeeze %dma_start3A_53 : memref<1x1x1x80xi32, #tpu.memory_space<hbm>> -> memref<80xi32, #tpu.memory_space<hbm>>
    tpu.enqueue_dma source(%dma_start3A_54 : memref<80xi32, #tpu.memory_space<hbm>>) target(%arg7 : memref<80xi32, #tpu.memory_space<vmem>>) target_semaphore(%arg17 : memref<!tpu.dma_semaphore, #tpu.memory_space<semaphore_mem>>)
    %dma_start3A_55 = arith.constant 0 : i32
    %dma_start3A_56 = arith.constant 0 : i32
    %dma_start3A_57 = tpu.memref_slice %arg5[%dma_start3A_55, %dma_start3A_56] : memref<125x80xi32, #tpu.memory_space<vmem>> -> memref<1x80xi32, #tpu.memory_space<vmem>>
    %dma_start3A_58 = tpu.memref_squeeze %dma_start3A_57 : memref<1x80xi32, #tpu.memory_space<vmem>> -> memref<80xi32, #tpu.memory_space<vmem>>
    %dma_start3A_59 = arith.constant 0 : i32
    %dma_start3A_60 = arith.constant 0 : i32
    %dma_start3A_61 = tpu.memref_slice %arg3[%dma_start3A_59, %dma_start3A_60] : memref<10000x128xf32, #tpu.memory_space<hbm>> -> memref<10000x128xf32, #tpu.memory_space<hbm>>
    tpu.enqueue_indirect_dma source(%dma_start3A_61 : memref<10000x128xf32, #tpu.memory_space<hbm>>) target(%arg9 : memref<80x128xf32, #tpu.memory_space<vmem>>) offsets(%dma_start3A_58 : memref<80xi32, #tpu.memory_space<vmem>>) semaphore(%arg13 : memref<!tpu.dma_semaphore, #tpu.memory_space<semaphore_mem>>)
    %dma_start3A_62 = arith.constant 1 : i32
    %dma_start3A_63 = arith.constant 0 : i32
    %dma_start3A_64 = tpu.memref_slice %arg5[%dma_start3A_62, %dma_start3A_63] : memref<125x80xi32, #tpu.memory_space<vmem>> -> memref<1x80xi32, #tpu.memory_space<vmem>>
    %dma_start3A_65 = tpu.memref_squeeze %dma_start3A_64 : memref<1x80xi32, #tpu.memory_space<vmem>> -> memref<80xi32, #tpu.memory_space<vmem>>
    %dma_start3A_66 = arith.constant 0 : i32
    %dma_start3A_67 = arith.constant 0 : i32
    %dma_start3A_68 = tpu.memref_slice %arg3[%dma_start3A_66, %dma_start3A_67] : memref<10000x128xf32, #tpu.memory_space<hbm>> -> memref<10000x128xf32, #tpu.memory_space<hbm>>
    tpu.enqueue_indirect_dma source(%dma_start3A_68 : memref<10000x128xf32, #tpu.memory_space<hbm>>) target(%arg10 : memref<80x128xf32, #tpu.memory_space<vmem>>) offsets(%dma_start3A_65 : memref<80xi32, #tpu.memory_space<vmem>>) semaphore(%arg14 : memref<!tpu.dma_semaphore, #tpu.memory_space<semaphore_mem>>)
    %scan3A_69 = arith.constant 0 : i32
    %scan3A_70 = arith.constant 0 : i32
    %scan3A_71 = arith.constant 42 : i32
    %scan3A_72 = arith.addi %scan3A_70, %scan3A_71 : i32
    %scan3A_73 = arith.constant 1 : i32
    %scan3A_74 = scf.for %scan3A_81 = %scan3A_70 to %scan3A_72 step %scan3A_73 iter_args(%scan3A_82 = %scan3A_69) -> (i32)  : i32 {
      %mul3A_83 = arith.constant 3 : i32
      %mul3A_84 = arith.muli %scan3A_81, %mul3A_83 : i32
      %add3A_85 = arith.constant 0 : i32
      %add3A_86 = arith.addi %mul3A_84, %add3A_85 : i32
      %lt3A = arith.constant 125 : i32
      %lt3A_87 = arith.cmpi slt, %add3A_86, %lt3A : i32
      %convert_element_type3A = arith.extui %lt3A_87 : i1 to i32
      %cond3A = arith.constant 0 : i32
      %cond3A_88 = arith.cmpi ne, %convert_element_type3A, %cond3A : i32
      scf.if %cond3A_88 {
        %dma_wait3A = arith.constant 0 : i32
        %dma_wait3A_108 = tpu.memref_slice %arg5[%add3A_86, %dma_wait3A] : memref<125x80xi32, #tpu.memory_space<vmem>> -> memref<1x80xi32, #tpu.memory_space<vmem>>
        %dma_wait3A_109 = tpu.memref_squeeze %dma_wait3A_108 : memref<1x80xi32, #tpu.memory_space<vmem>> -> memref<80xi32, #tpu.memory_space<vmem>>
        %dma_wait3A_110 = arith.constant 0 : i32
        %dma_wait3A_111 = arith.constant 0 : i32
        %dma_wait3A_112 = tpu.memref_slice %arg3[%dma_wait3A_110, %dma_wait3A_111] : memref<10000x128xf32, #tpu.memory_space<hbm>> -> memref<10000x128xf32, #tpu.memory_space<hbm>>
        tpu.wait_indirect_dma semaphore(%arg13 : memref<!tpu.dma_semaphore, #tpu.memory_space<semaphore_mem>>) src(%dma_wait3A_112 : memref<10000x128xf32, #tpu.memory_space<hbm>>) dst(%arg9 : memref<80x128xf32, #tpu.memory_space<vmem>>)
        %add3A_113 = arith.constant 2 : i32
        %add3A_114 = arith.addi %add3A_86, %add3A_113 : i32
        %lt3A_115 = arith.constant 125 : i32
        %lt3A_116 = arith.cmpi slt, %add3A_114, %lt3A_115 : i32
        %convert_element_type3A_117 = arith.extui %lt3A_116 : i1 to i32
        %cond3A_118 = arith.constant 0 : i32
        %cond3A_119 = arith.cmpi ne, %convert_element_type3A_117, %cond3A_118 : i32
        scf.if %cond3A_119 {
          %add3A_127 = arith.constant 2 : i32
          %add3A_128 = arith.addi %add3A_86, %add3A_127 : i32
          %dma_start3A_129 = arith.constant 0 : i32
          %dma_start3A_130 = tpu.memref_slice %arg5[%add3A_128, %dma_start3A_129] : memref<125x80xi32, #tpu.memory_space<vmem>> -> memref<1x80xi32, #tpu.memory_space<vmem>>
          %dma_start3A_131 = tpu.memref_squeeze %dma_start3A_130 : memref<1x80xi32, #tpu.memory_space<vmem>> -> memref<80xi32, #tpu.memory_space<vmem>>
          %dma_start3A_132 = arith.constant 0 : i32
          %dma_start3A_133 = arith.constant 0 : i32
          %dma_start3A_134 = tpu.memref_slice %arg3[%dma_start3A_132, %dma_start3A_133] : memref<10000x128xf32, #tpu.memory_space<hbm>> -> memref<10000x128xf32, #tpu.memory_space<hbm>>
          tpu.enqueue_indirect_dma source(%dma_start3A_134 : memref<10000x128xf32, #tpu.memory_space<hbm>>) target(%arg11 : memref<80x128xf32, #tpu.memory_space<vmem>>) offsets(%dma_start3A_131 : memref<80xi32, #tpu.memory_space<vmem>>) semaphore(%arg15 : memref<!tpu.dma_semaphore, #tpu.memory_space<semaphore_mem>>)
          %add3A_135 = arith.constant 2 : i32
          %add3A_136 = arith.addi %add3A_86, %add3A_135 : i32
          %dma_start3A_137 = arith.constant 1 : i32
          %dma_start3A_138 = arith.constant 0 : i32
          %dma_start3A_139 = tpu.memref_slice %arg2[%dma_start3A_137, %add3A, %add3A_136, %dma_start3A_138] : memref<2x32x125x80xi32, #tpu.memory_space<hbm>> -> memref<1x1x1x80xi32, #tpu.memory_space<hbm>>
          %dma_start3A_140 = tpu.memref_squeeze %dma_start3A_139 : memref<1x1x1x80xi32, #tpu.memory_space<hbm>> -> memref<80xi32, #tpu.memory_space<hbm>>
          %dma_start3A_141 = arith.constant 0 : i32
          %dma_start3A_142 = tpu.memref_slice %arg2[%dma_start3A_137, %add3A, %add3A_136, %dma_start3A_141] : memref<2x32x125x80xi32, #tpu.memory_space<hbm>> -> memref<1x1x1x80xi32, #tpu.memory_space<hbm>>
          %dma_start3A_143 = tpu.memref_squeeze %dma_start3A_142 : memref<1x1x1x80xi32, #tpu.memory_space<hbm>> -> memref<80xi32, #tpu.memory_space<hbm>>
          tpu.enqueue_dma source(%dma_start3A_143 : memref<80xi32, #tpu.memory_space<hbm>>) target(%arg8 : memref<80xi32, #tpu.memory_space<vmem>>) target_semaphore(%arg18 : memref<!tpu.dma_semaphore, #tpu.memory_space<semaphore_mem>>)
        } else {
        }
        %dma_wait3A_120 = arith.constant 1 : i32
        %dma_wait3A_121 = arith.constant 0 : i32
        %dma_wait3A_122 = tpu.memref_slice %arg2[%dma_wait3A_120, %add3A, %add3A_86, %dma_wait3A_121] : memref<2x32x125x80xi32, #tpu.memory_space<hbm>> -> memref<1x1x1x80xi32, #tpu.memory_space<hbm>>
        %dma_wait3A_123 = tpu.memref_squeeze %dma_wait3A_122 : memref<1x1x1x80xi32, #tpu.memory_space<hbm>> -> memref<80xi32, #tpu.memory_space<hbm>>
        %dma_wait3A_124 = arith.constant 0 : i32
        %dma_wait3A_125 = tpu.memref_slice %arg2[%dma_wait3A_120, %add3A, %add3A_86, %dma_wait3A_124] : memref<2x32x125x80xi32, #tpu.memory_space<hbm>> -> memref<1x1x1x80xi32, #tpu.memory_space<hbm>>
        %dma_wait3A_126 = tpu.memref_squeeze %dma_wait3A_125 : memref<1x1x1x80xi32, #tpu.memory_space<hbm>> -> memref<80xi32, #tpu.memory_space<hbm>>
        tpu.wait_dma2 semaphore(%arg16 : memref<!tpu.dma_semaphore, #tpu.memory_space<semaphore_mem>>) src(%dma_wait3A_126 : memref<80xi32, #tpu.memory_space<hbm>>) dst(%arg6 : memref<80xi32, #tpu.memory_space<vmem>>)
        "tpu.region"() ({
          %run_scoped3A_127 = tpu.sem_alloc : memref<!tpu.dma_semaphore, #tpu.memory_space<semaphore_mem>>
          %dma_start3A_128 = arith.constant 0 : i32
          %dma_start3A_129 = arith.constant 0 : i32
          %dma_start3A_130 = tpu.memref_slice %arg12[%dma_start3A_128, %dma_start3A_129] : memref<10240x128xf32, #tpu.memory_space<vmem_shared>> -> memref<10240x128xf32, #tpu.memory_space<vmem_shared>>
          tpu.enqueue_indirect_dma source(%arg9 : memref<80x128xf32, #tpu.memory_space<vmem>>) target(%dma_start3A_130 : memref<10240x128xf32, #tpu.memory_space<vmem_shared>>) offsets(%arg6 : memref<80xi32, #tpu.memory_space<vmem>>) semaphore(%run_scoped3A_127 : memref<!tpu.dma_semaphore, #tpu.memory_space<semaphore_mem>>) {add = true}
          %dma_wait3A_131 = arith.constant 0 : i32
          %dma_wait3A_132 = arith.constant 0 : i32
          %dma_wait3A_133 = tpu.memref_slice %arg12[%dma_wait3A_131, %dma_wait3A_132] : memref<10240x128xf32, #tpu.memory_space<vmem_shared>> -> memref<10240x128xf32, #tpu.memory_space<vmem_shared>>
          tpu.wait_indirect_dma semaphore(%run_scoped3A_127 : memref<!tpu.dma_semaphore, #tpu.memory_space<semaphore_mem>>) src(%arg9 : memref<80x128xf32, #tpu.memory_space<vmem>>) dst(%dma_wait3A_133 : memref<10240x128xf32, #tpu.memory_space<vmem_shared>>)
          tpu.yield
        }) : () -> ()
      } else {
      }
      %mul3A_89 = arith.constant 3 : i32
      %mul3A_90 = arith.muli %scan3A_81, %mul3A_89 : i32
      %add3A_91 = arith.constant 1 : i32
      %add3A_92 = arith.addi %mul3A_90, %add3A_91 : i32
      %lt3A_93 = arith.constant 125 : i32
      %lt3A_94 = arith.cmpi slt, %add3A_92, %lt3A_93 : i32
      %convert_element_type3A_95 = arith.extui %lt3A_94 : i1 to i32
      %cond3A_96 = arith.constant 0 : i32
      %cond3A_97 = arith.cmpi ne, %convert_element_type3A_95, %cond3A_96 : i32
      scf.if %cond3A_97 {
        %dma_wait3A = arith.constant 0 : i32
        %dma_wait3A_108 = tpu.memref_slice %arg5[%add3A_92, %dma_wait3A] : memref<125x80xi32, #tpu.memory_space<vmem>> -> memref<1x80xi32, #tpu.memory_space<vmem>>
        %dma_wait3A_109 = tpu.memref_squeeze %dma_wait3A_108 : memref<1x80xi32, #tpu.memory_space<vmem>> -> memref<80xi32, #tpu.memory_space<vmem>>
        %dma_wait3A_110 = arith.constant 0 : i32
        %dma_wait3A_111 = arith.constant 0 : i32
        %dma_wait3A_112 = tpu.memref_slice %arg3[%dma_wait3A_110, %dma_wait3A_111] : memref<10000x128xf32, #tpu.memory_space<hbm>> -> memref<10000x128xf32, #tpu.memory_space<hbm>>
        tpu.wait_indirect_dma semaphore(%arg14 : memref<!tpu.dma_semaphore, #tpu.memory_space<semaphore_mem>>) src(%dma_wait3A_112 : memref<10000x128xf32, #tpu.memory_space<hbm>>) dst(%arg10 : memref<80x128xf32, #tpu.memory_space<vmem>>)
        %add3A_113 = arith.constant 2 : i32
        %add3A_114 = arith.addi %add3A_92, %add3A_113 : i32
        %lt3A_115 = arith.constant 125 : i32
        %lt3A_116 = arith.cmpi slt, %add3A_114, %lt3A_115 : i32
        %convert_element_type3A_117 = arith.extui %lt3A_116 : i1 to i32
        %cond3A_118 = arith.constant 0 : i32
        %cond3A_119 = arith.cmpi ne, %convert_element_type3A_117, %cond3A_118 : i32
        scf.if %cond3A_119 {
          %add3A_127 = arith.constant 2 : i32
          %add3A_128 = arith.addi %add3A_92, %add3A_127 : i32
          %dma_start3A_129 = arith.constant 0 : i32
          %dma_start3A_130 = tpu.memref_slice %arg5[%add3A_128, %dma_start3A_129] : memref<125x80xi32, #tpu.memory_space<vmem>> -> memref<1x80xi32, #tpu.memory_space<vmem>>
          %dma_start3A_131 = tpu.memref_squeeze %dma_start3A_130 : memref<1x80xi32, #tpu.memory_space<vmem>> -> memref<80xi32, #tpu.memory_space<vmem>>
          %dma_start3A_132 = arith.constant 0 : i32
          %dma_start3A_133 = arith.constant 0 : i32
          %dma_start3A_134 = tpu.memref_slice %arg3[%dma_start3A_132, %dma_start3A_133] : memref<10000x128xf32, #tpu.memory_space<hbm>> -> memref<10000x128xf32, #tpu.memory_space<hbm>>
          tpu.enqueue_indirect_dma source(%dma_start3A_134 : memref<10000x128xf32, #tpu.memory_space<hbm>>) target(%arg9 : memref<80x128xf32, #tpu.memory_space<vmem>>) offsets(%dma_start3A_131 : memref<80xi32, #tpu.memory_space<vmem>>) semaphore(%arg13 : memref<!tpu.dma_semaphore, #tpu.memory_space<semaphore_mem>>)
          %add3A_135 = arith.constant 2 : i32
          %add3A_136 = arith.addi %add3A_92, %add3A_135 : i32
          %dma_start3A_137 = arith.constant 1 : i32
          %dma_start3A_138 = arith.constant 0 : i32
          %dma_start3A_139 = tpu.memref_slice %arg2[%dma_start3A_137, %add3A, %add3A_136, %dma_start3A_138] : memref<2x32x125x80xi32, #tpu.memory_space<hbm>> -> memref<1x1x1x80xi32, #tpu.memory_space<hbm>>
          %dma_start3A_140 = tpu.memref_squeeze %dma_start3A_139 : memref<1x1x1x80xi32, #tpu.memory_space<hbm>> -> memref<80xi32, #tpu.memory_space<hbm>>
          %dma_start3A_141 = arith.constant 0 : i32
          %dma_start3A_142 = tpu.memref_slice %arg2[%dma_start3A_137, %add3A, %add3A_136, %dma_start3A_141] : memref<2x32x125x80xi32, #tpu.memory_space<hbm>> -> memref<1x1x1x80xi32, #tpu.memory_space<hbm>>
          %dma_start3A_143 = tpu.memref_squeeze %dma_start3A_142 : memref<1x1x1x80xi32, #tpu.memory_space<hbm>> -> memref<80xi32, #tpu.memory_space<hbm>>
          tpu.enqueue_dma source(%dma_start3A_143 : memref<80xi32, #tpu.memory_space<hbm>>) target(%arg6 : memref<80xi32, #tpu.memory_space<vmem>>) target_semaphore(%arg16 : memref<!tpu.dma_semaphore, #tpu.memory_space<semaphore_mem>>)
        } else {
        }
        %dma_wait3A_120 = arith.constant 1 : i32
        %dma_wait3A_121 = arith.constant 0 : i32
        %dma_wait3A_122 = tpu.memref_slice %arg2[%dma_wait3A_120, %add3A, %add3A_92, %dma_wait3A_121] : memref<2x32x125x80xi32, #tpu.memory_space<hbm>> -> memref<1x1x1x80xi32, #tpu.memory_space<hbm>>
        %dma_wait3A_123 = tpu.memref_squeeze %dma_wait3A_122 : memref<1x1x1x80xi32, #tpu.memory_space<hbm>> -> memref<80xi32, #tpu.memory_space<hbm>>
        %dma_wait3A_124 = arith.constant 0 : i32
        %dma_wait3A_125 = tpu.memref_slice %arg2[%dma_wait3A_120, %add3A, %add3A_92, %dma_wait3A_124] : memref<2x32x125x80xi32, #tpu.memory_space<hbm>> -> memref<1x1x1x80xi32, #tpu.memory_space<hbm>>
        %dma_wait3A_126 = tpu.memref_squeeze %dma_wait3A_125 : memref<1x1x1x80xi32, #tpu.memory_space<hbm>> -> memref<80xi32, #tpu.memory_space<hbm>>
        tpu.wait_dma2 semaphore(%arg17 : memref<!tpu.dma_semaphore, #tpu.memory_space<semaphore_mem>>) src(%dma_wait3A_126 : memref<80xi32, #tpu.memory_space<hbm>>) dst(%arg7 : memref<80xi32, #tpu.memory_space<vmem>>)
        "tpu.region"() ({
          %run_scoped3A_127 = tpu.sem_alloc : memref<!tpu.dma_semaphore, #tpu.memory_space<semaphore_mem>>
          %dma_start3A_128 = arith.constant 0 : i32
          %dma_start3A_129 = arith.constant 0 : i32
          %dma_start3A_130 = tpu.memref_slice %arg12[%dma_start3A_128, %dma_start3A_129] : memref<10240x128xf32, #tpu.memory_space<vmem_shared>> -> memref<10240x128xf32, #tpu.memory_space<vmem_shared>>
          tpu.enqueue_indirect_dma source(%arg10 : memref<80x128xf32, #tpu.memory_space<vmem>>) target(%dma_start3A_130 : memref<10240x128xf32, #tpu.memory_space<vmem_shared>>) offsets(%arg7 : memref<80xi32, #tpu.memory_space<vmem>>) semaphore(%run_scoped3A_127 : memref<!tpu.dma_semaphore, #tpu.memory_space<semaphore_mem>>) {add = true}
          %dma_wait3A_131 = arith.constant 0 : i32
          %dma_wait3A_132 = arith.constant 0 : i32
          %dma_wait3A_133 = tpu.memref_slice %arg12[%dma_wait3A_131, %dma_wait3A_132] : memref<10240x128xf32, #tpu.memory_space<vmem_shared>> -> memref<10240x128xf32, #tpu.memory_space<vmem_shared>>
          tpu.wait_indirect_dma semaphore(%run_scoped3A_127 : memref<!tpu.dma_semaphore, #tpu.memory_space<semaphore_mem>>) src(%arg10 : memref<80x128xf32, #tpu.memory_space<vmem>>) dst(%dma_wait3A_133 : memref<10240x128xf32, #tpu.memory_space<vmem_shared>>)
          tpu.yield
        }) : () -> ()
      } else {
      }
      %mul3A_98 = arith.constant 3 : i32
      %mul3A_99 = arith.muli %scan3A_81, %mul3A_98 : i32
      %add3A_100 = arith.constant 2 : i32
      %add3A_101 = arith.addi %mul3A_99, %add3A_100 : i32
      %lt3A_102 = arith.constant 125 : i32
      %lt3A_103 = arith.cmpi slt, %add3A_101, %lt3A_102 : i32
      %convert_element_type3A_104 = arith.extui %lt3A_103 : i1 to i32
      %cond3A_105 = arith.constant 0 : i32
      %cond3A_106 = arith.cmpi ne, %convert_element_type3A_104, %cond3A_105 : i32
      scf.if %cond3A_106 {
        %dma_wait3A = arith.constant 0 : i32
        %dma_wait3A_108 = tpu.memref_slice %arg5[%add3A_101, %dma_wait3A] : memref<125x80xi32, #tpu.memory_space<vmem>> -> memref<1x80xi32, #tpu.memory_space<vmem>>
        %dma_wait3A_109 = tpu.memref_squeeze %dma_wait3A_108 : memref<1x80xi32, #tpu.memory_space<vmem>> -> memref<80xi32, #tpu.memory_space<vmem>>
        %dma_wait3A_110 = arith.constant 0 : i32
        %dma_wait3A_111 = arith.constant 0 : i32
        %dma_wait3A_112 = tpu.memref_slice %arg3[%dma_wait3A_110, %dma_wait3A_111] : memref<10000x128xf32, #tpu.memory_space<hbm>> -> memref<10000x128xf32, #tpu.memory_space<hbm>>
        tpu.wait_indirect_dma semaphore(%arg15 : memref<!tpu.dma_semaphore, #tpu.memory_space<semaphore_mem>>) src(%dma_wait3A_112 : memref<10000x128xf32, #tpu.memory_space<hbm>>) dst(%arg11 : memref<80x128xf32, #tpu.memory_space<vmem>>)
        %add3A_113 = arith.constant 2 : i32
        %add3A_114 = arith.addi %add3A_101, %add3A_113 : i32
        %lt3A_115 = arith.constant 125 : i32
        %lt3A_116 = arith.cmpi slt, %add3A_114, %lt3A_115 : i32
        %convert_element_type3A_117 = arith.extui %lt3A_116 : i1 to i32
        %cond3A_118 = arith.constant 0 : i32
        %cond3A_119 = arith.cmpi ne, %convert_element_type3A_117, %cond3A_118 : i32
        scf.if %cond3A_119 {
          %add3A_127 = arith.constant 2 : i32
          %add3A_128 = arith.addi %add3A_101, %add3A_127 : i32
          %dma_start3A_129 = arith.constant 0 : i32
          %dma_start3A_130 = tpu.memref_slice %arg5[%add3A_128, %dma_start3A_129] : memref<125x80xi32, #tpu.memory_space<vmem>> -> memref<1x80xi32, #tpu.memory_space<vmem>>
          %dma_start3A_131 = tpu.memref_squeeze %dma_start3A_130 : memref<1x80xi32, #tpu.memory_space<vmem>> -> memref<80xi32, #tpu.memory_space<vmem>>
          %dma_start3A_132 = arith.constant 0 : i32
          %dma_start3A_133 = arith.constant 0 : i32
          %dma_start3A_134 = tpu.memref_slice %arg3[%dma_start3A_132, %dma_start3A_133] : memref<10000x128xf32, #tpu.memory_space<hbm>> -> memref<10000x128xf32, #tpu.memory_space<hbm>>
          tpu.enqueue_indirect_dma source(%dma_start3A_134 : memref<10000x128xf32, #tpu.memory_space<hbm>>) target(%arg10 : memref<80x128xf32, #tpu.memory_space<vmem>>) offsets(%dma_start3A_131 : memref<80xi32, #tpu.memory_space<vmem>>) semaphore(%arg14 : memref<!tpu.dma_semaphore, #tpu.memory_space<semaphore_mem>>)
          %add3A_135 = arith.constant 2 : i32
          %add3A_136 = arith.addi %add3A_101, %add3A_135 : i32
          %dma_start3A_137 = arith.constant 1 : i32
          %dma_start3A_138 = arith.constant 0 : i32
          %dma_start3A_139 = tpu.memref_slice %arg2[%dma_start3A_137, %add3A, %add3A_136, %dma_start3A_138] : memref<2x32x125x80xi32, #tpu.memory_space<hbm>> -> memref<1x1x1x80xi32, #tpu.memory_space<hbm>>
          %dma_start3A_140 = tpu.memref_squeeze %dma_start3A_139 : memref<1x1x1x80xi32, #tpu.memory_space<hbm>> -> memref<80xi32, #tpu.memory_space<hbm>>
          %dma_start3A_141 = arith.constant 0 : i32
          %dma_start3A_142 = tpu.memref_slice %arg2[%dma_start3A_137, %add3A, %add3A_136, %dma_start3A_141] : memref<2x32x125x80xi32, #tpu.memory_space<hbm>> -> memref<1x1x1x80xi32, #tpu.memory_space<hbm>>
          %dma_start3A_143 = tpu.memref_squeeze %dma_start3A_142 : memref<1x1x1x80xi32, #tpu.memory_space<hbm>> -> memref<80xi32, #tpu.memory_space<hbm>>
          tpu.enqueue_dma source(%dma_start3A_143 : memref<80xi32, #tpu.memory_space<hbm>>) target(%arg7 : memref<80xi32, #tpu.memory_space<vmem>>) target_semaphore(%arg17 : memref<!tpu.dma_semaphore, #tpu.memory_space<semaphore_mem>>)
        } else {
        }
        %dma_wait3A_120 = arith.constant 1 : i32
        %dma_wait3A_121 = arith.constant 0 : i32
        %dma_wait3A_122 = tpu.memref_slice %arg2[%dma_wait3A_120, %add3A, %add3A_101, %dma_wait3A_121] : memref<2x32x125x80xi32, #tpu.memory_space<hbm>> -> memref<1x1x1x80xi32, #tpu.memory_space<hbm>>
        %dma_wait3A_123 = tpu.memref_squeeze %dma_wait3A_122 : memref<1x1x1x80xi32, #tpu.memory_space<hbm>> -> memref<80xi32, #tpu.memory_space<hbm>>
        %dma_wait3A_124 = arith.constant 0 : i32
        %dma_wait3A_125 = tpu.memref_slice %arg2[%dma_wait3A_120, %add3A, %add3A_101, %dma_wait3A_124] : memref<2x32x125x80xi32, #tpu.memory_space<hbm>> -> memref<1x1x1x80xi32, #tpu.memory_space<hbm>>
        %dma_wait3A_126 = tpu.memref_squeeze %dma_wait3A_125 : memref<1x1x1x80xi32, #tpu.memory_space<hbm>> -> memref<80xi32, #tpu.memory_space<hbm>>
        tpu.wait_dma2 semaphore(%arg18 : memref<!tpu.dma_semaphore, #tpu.memory_space<semaphore_mem>>) src(%dma_wait3A_126 : memref<80xi32, #tpu.memory_space<hbm>>) dst(%arg8 : memref<80xi32, #tpu.memory_space<vmem>>)
        "tpu.region"() ({
          %run_scoped3A_127 = tpu.sem_alloc : memref<!tpu.dma_semaphore, #tpu.memory_space<semaphore_mem>>
          %dma_start3A_128 = arith.constant 0 : i32
          %dma_start3A_129 = arith.constant 0 : i32
          %dma_start3A_130 = tpu.memref_slice %arg12[%dma_start3A_128, %dma_start3A_129] : memref<10240x128xf32, #tpu.memory_space<vmem_shared>> -> memref<10240x128xf32, #tpu.memory_space<vmem_shared>>
          tpu.enqueue_indirect_dma source(%arg11 : memref<80x128xf32, #tpu.memory_space<vmem>>) target(%dma_start3A_130 : memref<10240x128xf32, #tpu.memory_space<vmem_shared>>) offsets(%arg8 : memref<80xi32, #tpu.memory_space<vmem>>) semaphore(%run_scoped3A_127 : memref<!tpu.dma_semaphore, #tpu.memory_space<semaphore_mem>>) {add = true}
          %dma_wait3A_131 = arith.constant 0 : i32
          %dma_wait3A_132 = arith.constant 0 : i32
          %dma_wait3A_133 = tpu.memref_slice %arg12[%dma_wait3A_131, %dma_wait3A_132] : memref<10240x128xf32, #tpu.memory_space<vmem_shared>> -> memref<10240x128xf32, #tpu.memory_space<vmem_shared>>
          tpu.wait_indirect_dma semaphore(%run_scoped3A_127 : memref<!tpu.dma_semaphore, #tpu.memory_space<semaphore_mem>>) src(%arg11 : memref<80x128xf32, #tpu.memory_space<vmem>>) dst(%dma_wait3A_133 : memref<10240x128xf32, #tpu.memory_space<vmem_shared>>)
          tpu.yield
        }) : () -> ()
      } else {
      }
      %scan3A_107 = arith.constant 0 : i32
      scf.yield %scan3A_107 : i32
    }
    %scan3A_75 = arith.constant 42 : i32
    %barrier3A_76 = arith.constant 0 : index
    tpu.barrier barrier_id(%barrier3A_76)
    %mul3A_77 = arith.constant 640 : i32
    %mul3A_78 = arith.muli %arg1, %mul3A_77 : i32
    %mul3A_79 = arith.constant 640 : i32
    %mul3A_80 = arith.muli %arg1, %mul3A_79 : i32
    "tpu.region"() ({
      %run_scoped3A_81 = tpu.sem_alloc : memref<!tpu.dma_semaphore, #tpu.memory_space<semaphore_mem>>
      %dma_start3A_82 = arith.constant 0 : i32
      %dma_start3A_83 = tpu.memref_slice %arg4[%arg0, %mul3A_80, %dma_start3A_82] : memref<2x10240x128xf32, #tpu.memory_space<hbm>> -> memref<1x640x128xf32, #tpu.memory_space<hbm>>
      %dma_start3A_84 = tpu.memref_squeeze %dma_start3A_83 : memref<1x640x128xf32, #tpu.memory_space<hbm>> -> memref<640x128xf32, #tpu.memory_space<hbm>>
      %dma_start3A_85 = arith.constant 0 : i32
      %dma_start3A_86 = tpu.memref_slice %arg12[%mul3A_78, %dma_start3A_85] : memref<10240x128xf32, #tpu.memory_space<vmem_shared>> -> memref<640x128xf32, #tpu.memory_space<vmem_shared>>
      tpu.enqueue_dma source(%dma_start3A_86 : memref<640x128xf32, #tpu.memory_space<vmem_shared>>) target(%dma_start3A_84 : memref<640x128xf32, #tpu.memory_space<hbm>>) target_semaphore(%run_scoped3A_81 : memref<!tpu.dma_semaphore, #tpu.memory_space<semaphore_mem>>)
      %dma_wait3A = arith.constant 0 : i32
      %dma_wait3A_87 = tpu.memref_slice %arg4[%arg0, %mul3A_80, %dma_wait3A] : memref<2x10240x128xf32, #tpu.memory_space<hbm>> -> memref<1x640x128xf32, #tpu.memory_space<hbm>>
      %dma_wait3A_88 = tpu.memref_squeeze %dma_wait3A_87 : memref<1x640x128xf32, #tpu.memory_space<hbm>> -> memref<640x128xf32, #tpu.memory_space<hbm>>
      %dma_wait3A_89 = arith.constant 0 : i32
      %dma_wait3A_90 = tpu.memref_slice %arg12[%mul3A_78, %dma_wait3A_89] : memref<10240x128xf32, #tpu.memory_space<vmem_shared>> -> memref<640x128xf32, #tpu.memory_space<vmem_shared>>
      tpu.wait_dma2 semaphore(%run_scoped3A_81 : memref<!tpu.dma_semaphore, #tpu.memory_space<semaphore_mem>>) src(%dma_wait3A_90 : memref<640x128xf32, #tpu.memory_space<vmem_shared>>) dst(%dma_wait3A_88 : memref<640x128xf32, #tpu.memory_space<hbm>>)
      tpu.yield
    }) : () -> ()
    return
  }
}

#map = affine_map<(d0, d1) -> (0, 0, 0, 0)>
#map1 = affine_map<(d0, d1) -> (0, 0)>
module attributes {stable_mosaic.version = 14 : i64} {
  func.func @_deg_kernel(%arg0: i32, %arg1: i32, %arg2: memref<2x32x125x80xi32, #tpu.memory_space<hbm>>, %arg3: memref<2x10240xf32, #tpu.memory_space<hbm>>, %arg4: memref<125x80xi32, #tpu.memory_space<vmem>>, %arg5: memref<80xf32, #tpu.memory_space<vmem>>, %arg6: memref<640xf32, #tpu.memory_space<vmem>>, %arg7: memref<10240xf32, #tpu.memory_space<vmem_shared>>, %arg8: memref<!tpu.dma_semaphore, #tpu.memory_space<semaphore_mem>>) attributes {dimension_semantics = [#tpu.dimension_semantics<core_parallel>, #tpu.dimension_semantics<subcore_parallel>], iteration_bounds = array<i64: 2, 16>, scalar_prefetch = 0 : i64, scratch_operands = 5 : i64, tpu.core_type = #tpu.core_type<sc_vector_subcore>, window_params = [{transform_indices = #map}, {transform_indices = #map1}]} {
    %mul3A = arith.constant 16 : i32
    %mul3A_0 = arith.muli %arg0, %mul3A : i32
    %add3A = arith.addi %mul3A_0, %arg1 : i32
    %broadcast_in_dim3A = arith.constant 0.000000e+00 : f32
    %broadcast_in_dim3A_1 = vector.broadcast %broadcast_in_dim3A : f32 to vector<16xf32>
    %scan3A = arith.constant 0 : i32
    %scan3A_2 = arith.constant 0 : i32
    %scan3A_3 = arith.constant 40 : i32
    %scan3A_4 = arith.addi %scan3A_2, %scan3A_3 : i32
    %scan3A_5 = arith.constant 1 : i32
    %scan3A_6 = scf.for %scan3A_50 = %scan3A_2 to %scan3A_4 step %scan3A_5 iter_args(%scan3A_51 = %scan3A) -> (i32)  : i32 {
      %mul3A_52 = arith.constant 16 : i32
      %mul3A_53 = arith.muli %scan3A_50, %mul3A_52 : i32
      %swap3A_54 = arith.index_cast %mul3A_53 : i32 to index
      %swap3A_55 = tpu.vector_load %arg6[%swap3A_54] {strides = array<i32>} : memref<640xf32, #tpu.memory_space<vmem>>, vector<16xf32>,
      %swap3A_56 = vector.shape_cast %swap3A_55 : vector<16xf32> to vector<16xf32>
      %swap3A_57 = vector.shape_cast %broadcast_in_dim3A_1 : vector<16xf32> to vector<16xf32>
      tpu.vector_store %arg6[%swap3A_54], %swap3A_57 {strides = array<i32>} : memref<640xf32, #tpu.memory_space<vmem>>, vector<16xf32>,
      %scan3A_58 = arith.constant 0 : i32
      scf.yield %scan3A_58 : i32
    }
    %scan3A_7 = arith.constant 40 : i32
    %broadcast_in_dim3A_8 = arith.constant 1.000000e+00 : f32
    %broadcast_in_dim3A_9 = vector.broadcast %broadcast_in_dim3A_8 : f32 to vector<16xf32>
    %swap3A = arith.constant 0 : index
    %swap3A_10 = tpu.vector_load %arg5[%swap3A] {strides = array<i32>} : memref<80xf32, #tpu.memory_space<vmem>>, vector<16xf32>,
    %swap3A_11 = vector.shape_cast %swap3A_10 : vector<16xf32> to vector<16xf32>
    %swap3A_12 = vector.shape_cast %broadcast_in_dim3A_9 : vector<16xf32> to vector<16xf32>
    tpu.vector_store %arg5[%swap3A], %swap3A_12 {strides = array<i32>} : memref<80xf32, #tpu.memory_space<vmem>>, vector<16xf32>,
    %swap3A_13 = arith.constant 16 : index
    %swap3A_14 = tpu.vector_load %arg5[%swap3A_13] {strides = array<i32>} : memref<80xf32, #tpu.memory_space<vmem>>, vector<16xf32>,
    %swap3A_15 = vector.shape_cast %swap3A_14 : vector<16xf32> to vector<16xf32>
    %swap3A_16 = vector.shape_cast %broadcast_in_dim3A_9 : vector<16xf32> to vector<16xf32>
    tpu.vector_store %arg5[%swap3A_13], %swap3A_16 {strides = array<i32>} : memref<80xf32, #tpu.memory_space<vmem>>, vector<16xf32>,
    %swap3A_17 = arith.constant 32 : index
    %swap3A_18 = tpu.vector_load %arg5[%swap3A_17] {strides = array<i32>} : memref<80xf32, #tpu.memory_space<vmem>>, vector<16xf32>,
    %swap3A_19 = vector.shape_cast %swap3A_18 : vector<16xf32> to vector<16xf32>
    %swap3A_20 = vector.shape_cast %broadcast_in_dim3A_9 : vector<16xf32> to vector<16xf32>
    tpu.vector_store %arg5[%swap3A_17], %swap3A_20 {strides = array<i32>} : memref<80xf32, #tpu.memory_space<vmem>>, vector<16xf32>,
    %swap3A_21 = arith.constant 48 : index
    %swap3A_22 = tpu.vector_load %arg5[%swap3A_21] {strides = array<i32>} : memref<80xf32, #tpu.memory_space<vmem>>, vector<16xf32>,
    %swap3A_23 = vector.shape_cast %swap3A_22 : vector<16xf32> to vector<16xf32>
    %swap3A_24 = vector.shape_cast %broadcast_in_dim3A_9 : vector<16xf32> to vector<16xf32>
    tpu.vector_store %arg5[%swap3A_21], %swap3A_24 {strides = array<i32>} : memref<80xf32, #tpu.memory_space<vmem>>, vector<16xf32>,
    %swap3A_25 = arith.constant 64 : index
    %swap3A_26 = tpu.vector_load %arg5[%swap3A_25] {strides = array<i32>} : memref<80xf32, #tpu.memory_space<vmem>>, vector<16xf32>,
    %swap3A_27 = vector.shape_cast %swap3A_26 : vector<16xf32> to vector<16xf32>
    %swap3A_28 = vector.shape_cast %broadcast_in_dim3A_9 : vector<16xf32> to vector<16xf32>
    tpu.vector_store %arg5[%swap3A_25], %swap3A_28 {strides = array<i32>} : memref<80xf32, #tpu.memory_space<vmem>>, vector<16xf32>,
    %run_scoped3A = arith.constant 1 : i32
    "tpu.region"() ({
      %run_scoped3A_50 = tpu.sem_alloc : memref<!tpu.dma_semaphore, #tpu.memory_space<semaphore_mem>>
      %dma_start3A = arith.constant 0 : i32
      %dma_start3A_51 = arith.constant 0 : i32
      %dma_start3A_52 = tpu.memref_slice %arg2[%run_scoped3A, %add3A, %dma_start3A, %dma_start3A_51] : memref<2x32x125x80xi32, #tpu.memory_space<hbm>> -> memref<1x1x125x80xi32, #tpu.memory_space<hbm>>
      %dma_start3A_53 = tpu.memref_squeeze %dma_start3A_52 : memref<1x1x125x80xi32, #tpu.memory_space<hbm>> -> memref<125x80xi32, #tpu.memory_space<hbm>>
      %dma_start3A_54 = arith.constant 0 : i32
      %dma_start3A_55 = arith.constant 0 : i32
      %dma_start3A_56 = tpu.memref_slice %arg2[%run_scoped3A, %add3A, %dma_start3A_54, %dma_start3A_55] : memref<2x32x125x80xi32, #tpu.memory_space<hbm>> -> memref<1x1x125x80xi32, #tpu.memory_space<hbm>>
      %dma_start3A_57 = tpu.memref_squeeze %dma_start3A_56 : memref<1x1x125x80xi32, #tpu.memory_space<hbm>> -> memref<125x80xi32, #tpu.memory_space<hbm>>
      tpu.enqueue_dma source(%dma_start3A_57 : memref<125x80xi32, #tpu.memory_space<hbm>>) target(%arg4 : memref<125x80xi32, #tpu.memory_space<vmem>>) target_semaphore(%run_scoped3A_50 : memref<!tpu.dma_semaphore, #tpu.memory_space<semaphore_mem>>)
      %dma_wait3A = arith.constant 0 : i32
      %dma_wait3A_58 = arith.constant 0 : i32
      %dma_wait3A_59 = tpu.memref_slice %arg2[%run_scoped3A, %add3A, %dma_wait3A, %dma_wait3A_58] : memref<2x32x125x80xi32, #tpu.memory_space<hbm>> -> memref<1x1x125x80xi32, #tpu.memory_space<hbm>>
      %dma_wait3A_60 = tpu.memref_squeeze %dma_wait3A_59 : memref<1x1x125x80xi32, #tpu.memory_space<hbm>> -> memref<125x80xi32, #tpu.memory_space<hbm>>
      %dma_wait3A_61 = arith.constant 0 : i32
      %dma_wait3A_62 = arith.constant 0 : i32
      %dma_wait3A_63 = tpu.memref_slice %arg2[%run_scoped3A, %add3A, %dma_wait3A_61, %dma_wait3A_62] : memref<2x32x125x80xi32, #tpu.memory_space<hbm>> -> memref<1x1x125x80xi32, #tpu.memory_space<hbm>>
      %dma_wait3A_64 = tpu.memref_squeeze %dma_wait3A_63 : memref<1x1x125x80xi32, #tpu.memory_space<hbm>> -> memref<125x80xi32, #tpu.memory_space<hbm>>
      tpu.wait_dma2 semaphore(%run_scoped3A_50 : memref<!tpu.dma_semaphore, #tpu.memory_space<semaphore_mem>>) src(%dma_wait3A_64 : memref<125x80xi32, #tpu.memory_space<hbm>>) dst(%arg4 : memref<125x80xi32, #tpu.memory_space<vmem>>)
      tpu.yield
    }) : () -> ()
    %mul3A_29 = arith.constant 640 : i32
    %mul3A_30 = arith.muli %arg1, %mul3A_29 : i32
    "tpu.region"() ({
      %run_scoped3A_50 = tpu.sem_alloc : memref<!tpu.dma_semaphore, #tpu.memory_space<semaphore_mem>>
      %dma_start3A = tpu.memref_slice %arg7[%mul3A_30] : memref<10240xf32, #tpu.memory_space<vmem_shared>> -> memref<640xf32, #tpu.memory_space<vmem_shared>>
      %dma_start3A_51 = tpu.memref_slice %arg7[%mul3A_30] : memref<10240xf32, #tpu.memory_space<vmem_shared>> -> memref<640xf32, #tpu.memory_space<vmem_shared>>
      tpu.enqueue_dma source(%arg6 : memref<640xf32, #tpu.memory_space<vmem>>) target(%dma_start3A_51 : memref<640xf32, #tpu.memory_space<vmem_shared>>) target_semaphore(%run_scoped3A_50 : memref<!tpu.dma_semaphore, #tpu.memory_space<semaphore_mem>>)
      %dma_wait3A = tpu.memref_slice %arg7[%mul3A_30] : memref<10240xf32, #tpu.memory_space<vmem_shared>> -> memref<640xf32, #tpu.memory_space<vmem_shared>>
      %dma_wait3A_52 = tpu.memref_slice %arg7[%mul3A_30] : memref<10240xf32, #tpu.memory_space<vmem_shared>> -> memref<640xf32, #tpu.memory_space<vmem_shared>>
      tpu.wait_dma2 semaphore(%run_scoped3A_50 : memref<!tpu.dma_semaphore, #tpu.memory_space<semaphore_mem>>) src(%arg6 : memref<640xf32, #tpu.memory_space<vmem>>) dst(%dma_wait3A_52 : memref<640xf32, #tpu.memory_space<vmem_shared>>)
      tpu.yield
    }) : () -> ()
    %barrier3A = arith.constant 0 : index
    tpu.barrier barrier_id(%barrier3A)
    %scan3A_31 = arith.constant 0 : i32
    %scan3A_32 = arith.constant 0 : i32
    %scan3A_33 = arith.constant 125 : i32
    %scan3A_34 = arith.addi %scan3A_32, %scan3A_33 : i32
    %scan3A_35 = arith.constant 1 : i32
    %scan3A_36 = scf.for %scan3A_50 = %scan3A_32 to %scan3A_34 step %scan3A_35 iter_args(%scan3A_51 = %scan3A_31) -> (i32)  : i32 {
      %dma_start3A = arith.constant 0 : i32
      %dma_start3A_52 = tpu.memref_slice %arg4[%scan3A_50, %dma_start3A] : memref<125x80xi32, #tpu.memory_space<vmem>> -> memref<1x80xi32, #tpu.memory_space<vmem>>
      %dma_start3A_53 = tpu.memref_squeeze %dma_start3A_52 : memref<1x80xi32, #tpu.memory_space<vmem>> -> memref<80xi32, #tpu.memory_space<vmem>>
      %dma_start3A_54 = arith.constant 0 : i32
      %dma_start3A_55 = tpu.memref_slice %arg7[%dma_start3A_54] : memref<10240xf32, #tpu.memory_space<vmem_shared>> -> memref<10240xf32, #tpu.memory_space<vmem_shared>>
      tpu.enqueue_indirect_dma source(%arg5 : memref<80xf32, #tpu.memory_space<vmem>>) target(%dma_start3A_55 : memref<10240xf32, #tpu.memory_space<vmem_shared>>) offsets(%dma_start3A_53 : memref<80xi32, #tpu.memory_space<vmem>>) semaphore(%arg8 : memref<!tpu.dma_semaphore, #tpu.memory_space<semaphore_mem>>) {add = true}
      %scan3A_56 = arith.constant 0 : i32
      scf.yield %scan3A_56 : i32
    }
    %scan3A_37 = arith.constant 125 : i32
    %scan3A_38 = arith.constant 0 : i32
    %scan3A_39 = arith.constant 0 : i32
    %scan3A_40 = arith.constant 125 : i32
    %scan3A_41 = arith.addi %scan3A_39, %scan3A_40 : i32
    %scan3A_42 = arith.constant 1 : i32
    %scan3A_43 = scf.for %scan3A_50 = %scan3A_39 to %scan3A_41 step %scan3A_42 iter_args(%scan3A_51 = %scan3A_38) -> (i32)  : i32 {
      %dma_wait3A = arith.constant 0 : i32
      %dma_wait3A_52 = arith.constant 0 : i32
      %dma_wait3A_53 = tpu.memref_slice %arg4[%dma_wait3A, %dma_wait3A_52] : memref<125x80xi32, #tpu.memory_space<vmem>> -> memref<1x80xi32, #tpu.memory_space<vmem>>
      %dma_wait3A_54 = tpu.memref_squeeze %dma_wait3A_53 : memref<1x80xi32, #tpu.memory_space<vmem>> -> memref<80xi32, #tpu.memory_space<vmem>>
      %dma_wait3A_55 = arith.constant 0 : i32
      %dma_wait3A_56 = tpu.memref_slice %arg7[%dma_wait3A_55] : memref<10240xf32, #tpu.memory_space<vmem_shared>> -> memref<10240xf32, #tpu.memory_space<vmem_shared>>
      tpu.wait_indirect_dma semaphore(%arg8 : memref<!tpu.dma_semaphore, #tpu.memory_space<semaphore_mem>>) src(%arg5 : memref<80xf32, #tpu.memory_space<vmem>>) dst(%dma_wait3A_56 : memref<10240xf32, #tpu.memory_space<vmem_shared>>)
      %scan3A_57 = arith.constant 0 : i32
      scf.yield %scan3A_57 : i32
    }
    %scan3A_44 = arith.constant 125 : i32
    %barrier3A_45 = arith.constant 0 : index
    tpu.barrier barrier_id(%barrier3A_45)
    %mul3A_46 = arith.constant 640 : i32
    %mul3A_47 = arith.muli %arg1, %mul3A_46 : i32
    %mul3A_48 = arith.constant 640 : i32
    %mul3A_49 = arith.muli %arg1, %mul3A_48 : i32
    "tpu.region"() ({
      %run_scoped3A_50 = tpu.sem_alloc : memref<!tpu.dma_semaphore, #tpu.memory_space<semaphore_mem>>
      %dma_start3A = tpu.memref_slice %arg3[%arg0, %mul3A_49] : memref<2x10240xf32, #tpu.memory_space<hbm>> -> memref<1x640xf32, #tpu.memory_space<hbm>>
      %dma_start3A_51 = tpu.memref_squeeze %dma_start3A : memref<1x640xf32, #tpu.memory_space<hbm>> -> memref<640xf32, #tpu.memory_space<hbm>>
      %dma_start3A_52 = tpu.memref_slice %arg7[%mul3A_47] : memref<10240xf32, #tpu.memory_space<vmem_shared>> -> memref<640xf32, #tpu.memory_space<vmem_shared>>
      tpu.enqueue_dma source(%dma_start3A_52 : memref<640xf32, #tpu.memory_space<vmem_shared>>) target(%dma_start3A_51 : memref<640xf32, #tpu.memory_space<hbm>>) target_semaphore(%run_scoped3A_50 : memref<!tpu.dma_semaphore, #tpu.memory_space<semaphore_mem>>)
      %dma_wait3A = tpu.memref_slice %arg3[%arg0, %mul3A_49] : memref<2x10240xf32, #tpu.memory_space<hbm>> -> memref<1x640xf32, #tpu.memory_space<hbm>>
      %dma_wait3A_53 = tpu.memref_squeeze %dma_wait3A : memref<1x640xf32, #tpu.memory_space<hbm>> -> memref<640xf32, #tpu.memory_space<hbm>>
      %dma_wait3A_54 = tpu.memref_slice %arg7[%mul3A_47] : memref<10240xf32, #tpu.memory_space<vmem_shared>> -> memref<640xf32, #tpu.memory_space<vmem_shared>>
      tpu.wait_dma2 semaphore(%run_scoped3A_50 : memref<!tpu.dma_semaphore, #tpu.memory_space<semaphore_mem>>) src(%dma_wait3A_54 : memref<640xf32, #tpu.memory_space<vmem_shared>>) dst(%dma_wait3A_53 : memref<640xf32, #tpu.memory_space<hbm>>)
      tpu.yield
    }) : () -> ()
    return
  }
}

module attributes {stable_mosaic.version = 14 : i64} {
  func.func @_prep_body(%arg0: i32, %arg1: memref<2x2000x1xf32, #tpu.memory_space<vmem>>, %arg2: memref<2000x128xf32, #tpu.memory_space<vmem>>, %arg3: memref<2000x128xf32, #tpu.memory_space<vmem>>) attributes {dimension_semantics = [#tpu.dimension_semantics<arbitrary>], iteration_bounds = array<i64: 5>, scalar_prefetch = 0 : i64, scratch_operands = 0 : i64, tpu.core_type = #tpu.core_type<tc>, window_params = [{transform_indices = @transform_0, window_bounds = array<i64: 2, 2000, 1>}, {transform_indices = @transform_1, window_bounds = array<i64: 2000, 128>}, {transform_indices = @transform_2, window_bounds = array<i64: 2000, 128>}]} {
    %get3A = arith.constant 0 : index
    %get3A_0 = arith.constant 0 : index
    %get3A_1 = arith.constant 0 : index
    %get3A_2 = vector.load %arg1[%get3A, %get3A_0, %get3A_1] : memref<2x2000x1xf32, #tpu.memory_space<vmem>>, vector<1x2000x1xf32>
    %get3A_3 = vector.shape_cast %get3A_2 : vector<1x2000x1xf32> to vector<2000x1xf32>
    %get3A_4 = arith.constant 1 : index
    %get3A_5 = arith.constant 0 : index
    %get3A_6 = arith.constant 0 : index
    %get3A_7 = vector.load %arg1[%get3A_4, %get3A_5, %get3A_6] : memref<2x2000x1xf32, #tpu.memory_space<vmem>>, vector<1x2000x1xf32>
    %get3A_8 = vector.shape_cast %get3A_7 : vector<1x2000x1xf32> to vector<2000x1xf32>
    %add3A = arith.addf %get3A_3, %get3A_8 : vector<2000x1xf32>
    %gt3A = arith.constant 0.000000e+00 : f32
    %gt3A_9 = vector.broadcast %gt3A : f32 to vector<2000x1xf32>
    %gt3A_10 = arith.cmpf ogt, %add3A, %gt3A_9 : vector<2000x1xf32>
    %max3A = arith.constant 1.000000e-30 : f32
    %max3A_11 = vector.broadcast %max3A : f32 to vector<2000x1xf32>
    %max3A_12 = arith.maximumf %add3A, %max3A_11 : vector<2000x1xf32>
    %rsqrt3A = math.rsqrt %max3A_12 : vector<2000x1xf32>
    %jit3A = arith.constant 0.000000e+00 : f32
    %broadcast_in_dim3A = vector.broadcast %jit3A : f32 to vector<2000x1xf32>
    %select_n3A = arith.select %gt3A_10, %rsqrt3A, %broadcast_in_dim3A : vector<2000x1xi1>, vector<2000x1xf32>
    %get3A_13 = arith.constant 0 : index
    %get3A_14 = arith.constant 0 : index
    %get3A_15 = vector.load %arg2[%get3A_13, %get3A_14] : memref<2000x128xf32, #tpu.memory_space<vmem>>, vector<2000x128xf32>
    %mul3A = vector.broadcast %select_n3A : vector<2000x1xf32> to vector<2000x128xf32>
    %mul3A_16 = arith.mulf %get3A_15, %mul3A : vector<2000x128xf32>
    %swap3A = arith.constant 0 : index
    %swap3A_17 = arith.constant 0 : index
    %swap3A_18 = vector.load %arg3[%swap3A, %swap3A_17] : memref<2000x128xf32, #tpu.memory_space<vmem>>, vector<2000x128xf32>
    tpu.vector_store %arg3[%swap3A, %swap3A_17], %mul3A_16 {strides = array<i32>} : memref<2000x128xf32, #tpu.memory_space<vmem>>, vector<2000x128xf32>,
    return
  }
  func.func @transform_0(%arg0: i32) -> (i32, i32, i32) {
    %c0_i32 = arith.constant 0 : i32
    %c0_i32_0 = arith.constant 0 : i32
    %c0_i32_1 = arith.constant 0 : i32
    return %c0_i32, %arg0, %c0_i32_0 : i32, i32, i32
  }
  func.func @transform_1(%arg0: i32) -> (i32, i32) {
    %c0_i32 = arith.constant 0 : i32
    %c0_i32_0 = arith.constant 0 : i32
    return %arg0, %c0_i32 : i32, i32
  }
  func.func @transform_2(%arg0: i32) -> (i32, i32) {
    %c0_i32 = arith.constant 0 : i32
    %c0_i32_0 = arith.constant 0 : i32
    return %arg0, %c0_i32 : i32, i32
  }
}

module attributes {stable_mosaic.version = 14 : i64} {
  func.func @_final_body(%arg0: i32, %arg1: memref<2x2000x128xf32, #tpu.memory_space<vmem>>, %arg2: memref<2x2000x1xf32, #tpu.memory_space<vmem>>, %arg3: memref<2000x128xf32, #tpu.memory_space<vmem>>, %arg4: memref<2000x4xf32, #tpu.memory_space<vmem>>, %arg5: memref<128x512xf32, #tpu.memory_space<vmem>>, %arg6: memref<2000x128xf32, #tpu.memory_space<vmem>>) attributes {dimension_semantics = [#tpu.dimension_semantics<arbitrary>], iteration_bounds = array<i64: 5>, scalar_prefetch = 0 : i64, scratch_operands = 0 : i64, tpu.core_type = #tpu.core_type<tc>, window_params = [{transform_indices = @transform_0, window_bounds = array<i64: 2, 2000, 128>}, {transform_indices = @transform_1, window_bounds = array<i64: 2, 2000, 1>}, {transform_indices = @transform_2, window_bounds = array<i64: 2000, 128>}, {transform_indices = @transform_3, window_bounds = array<i64: 2000, 4>}, {pipeline_mode = #tpu.pipeline_mode<synchronous>, transform_indices = @transform_4, window_bounds = array<i64: 128, 512>}, {transform_indices = @transform_5, window_bounds = array<i64: 2000, 128>}]} {
    %get3A = arith.constant 0 : index
    %get3A_0 = arith.constant 0 : index
    %get3A_1 = arith.constant 0 : index
    %get3A_2 = vector.load %arg1[%get3A, %get3A_0, %get3A_1] : memref<2x2000x128xf32, #tpu.memory_space<vmem>>, vector<1x2000x128xf32>
    %get3A_3 = vector.shape_cast %get3A_2 : vector<1x2000x128xf32> to vector<2000x128xf32>
    %get3A_4 = arith.constant 1 : index
    %get3A_5 = arith.constant 0 : index
    %get3A_6 = arith.constant 0 : index
    %get3A_7 = vector.load %arg1[%get3A_4, %get3A_5, %get3A_6] : memref<2x2000x128xf32, #tpu.memory_space<vmem>>, vector<1x2000x128xf32>
    %get3A_8 = vector.shape_cast %get3A_7 : vector<1x2000x128xf32> to vector<2000x128xf32>
    %add3A = arith.addf %get3A_3, %get3A_8 : vector<2000x128xf32>
    %get3A_9 = arith.constant 0 : index
    %get3A_10 = arith.constant 0 : index
    %get3A_11 = arith.constant 0 : index
    %get3A_12 = vector.load %arg2[%get3A_9, %get3A_10, %get3A_11] : memref<2x2000x1xf32, #tpu.memory_space<vmem>>, vector<1x2000x1xf32>
    %get3A_13 = vector.shape_cast %get3A_12 : vector<1x2000x1xf32> to vector<2000x1xf32>
    %get3A_14 = arith.constant 1 : index
    %get3A_15 = arith.constant 0 : index
    %get3A_16 = arith.constant 0 : index
    %get3A_17 = vector.load %arg2[%get3A_14, %get3A_15, %get3A_16] : memref<2x2000x1xf32, #tpu.memory_space<vmem>>, vector<1x2000x1xf32>
    %get3A_18 = vector.shape_cast %get3A_17 : vector<1x2000x1xf32> to vector<2000x1xf32>
    %add3A_19 = arith.addf %get3A_13, %get3A_18 : vector<2000x1xf32>
    %gt3A = arith.constant 0.000000e+00 : f32
    %gt3A_20 = vector.broadcast %gt3A : f32 to vector<2000x1xf32>
    %gt3A_21 = arith.cmpf ogt, %add3A_19, %gt3A_20 : vector<2000x1xf32>
    %max3A = arith.constant 1.000000e-30 : f32
    %max3A_22 = vector.broadcast %max3A : f32 to vector<2000x1xf32>
    %max3A_23 = arith.maximumf %add3A_19, %max3A_22 : vector<2000x1xf32>
    %rsqrt3A = math.rsqrt %max3A_23 : vector<2000x1xf32>
    %jit3A = arith.constant 0.000000e+00 : f32
    %broadcast_in_dim3A = vector.broadcast %jit3A : f32 to vector<2000x1xf32>
    %select_n3A = arith.select %gt3A_21, %rsqrt3A, %broadcast_in_dim3A : vector<2000x1xi1>, vector<2000x1xf32>
    %get3A_24 = arith.constant 0 : index
    %get3A_25 = arith.constant 0 : index
    %get3A_26 = vector.load %arg5[%get3A_24, %get3A_25] : memref<128x512xf32, #tpu.memory_space<vmem>>, vector<128x512xf32>
    %dot_general3A = arith.constant dense<0.000000e+00> : vector<2000x512xf32>
    %dot_general3A_27 = tpu.matmul %add3A, %get3A_26, %dot_general3A {dimension_numbers = #tpu.dot_dimension_numbers<[1], [0], [0], [1], [0, 0, 1, 1], [], []>, transpose_lhs_hint = false} : vector<2000x128xf32>, vector<128x512xf32>, vector<2000x512xf32> -> vector<2000x512xf32>
    %get3A_28 = arith.constant 0 : index
    %get3A_29 = arith.constant 0 : index
    %get3A_30 = vector.load %arg3[%get3A_28, %get3A_29] : memref<2000x128xf32, #tpu.memory_space<vmem>>, vector<2000x128xf32>
    %get3A_31 = arith.constant 0 : index
    %get3A_32 = arith.constant 0 : index
    %get3A_33 = vector.load %arg4[%get3A_31, %get3A_32] : memref<2000x4xf32, #tpu.memory_space<vmem>>, vector<2000x1xf32>
    %mul3A = arith.mulf %get3A_33, %select_n3A : vector<2000x1xf32>
    %slice3A = vector.extract_strided_slice %dot_general3A_27 {offsets = [0, 0], sizes = [2000, 128], strides = [1, 1]} : vector<2000x512xf32> to vector<2000x128xf32>
    %mul3A_34 = vector.broadcast %mul3A : vector<2000x1xf32> to vector<2000x128xf32>
    %mul3A_35 = arith.mulf %mul3A_34, %slice3A : vector<2000x128xf32>
    %add3A_36 = arith.addf %get3A_30, %mul3A_35 : vector<2000x128xf32>
    %get3A_37 = arith.constant 0 : index
    %get3A_38 = arith.constant 1 : index
    %get3A_39 = vector.load %arg4[%get3A_37, %get3A_38] : memref<2000x4xf32, #tpu.memory_space<vmem>>, vector<2000x1xf32>
    %mul3A_40 = arith.mulf %get3A_39, %select_n3A : vector<2000x1xf32>
    %slice3A_41 = vector.extract_strided_slice %dot_general3A_27 {offsets = [0, 128], sizes = [2000, 128], strides = [1, 1]} : vector<2000x512xf32> to vector<2000x128xf32>
    %mul3A_42 = vector.broadcast %mul3A_40 : vector<2000x1xf32> to vector<2000x128xf32>
    %mul3A_43 = arith.mulf %mul3A_42, %slice3A_41 : vector<2000x128xf32>
    %add3A_44 = arith.addf %add3A_36, %mul3A_43 : vector<2000x128xf32>
    %get3A_45 = arith.constant 0 : index
    %get3A_46 = arith.constant 2 : index
    %get3A_47 = vector.load %arg4[%get3A_45, %get3A_46] : memref<2000x4xf32, #tpu.memory_space<vmem>>, vector<2000x1xf32>
    %mul3A_48 = arith.mulf %get3A_47, %select_n3A : vector<2000x1xf32>
    %slice3A_49 = vector.extract_strided_slice %dot_general3A_27 {offsets = [0, 256], sizes = [2000, 128], strides = [1, 1]} : vector<2000x512xf32> to vector<2000x128xf32>
    %mul3A_50 = vector.broadcast %mul3A_48 : vector<2000x1xf32> to vector<2000x128xf32>
    %mul3A_51 = arith.mulf %mul3A_50, %slice3A_49 : vector<2000x128xf32>
    %add3A_52 = arith.addf %add3A_44, %mul3A_51 : vector<2000x128xf32>
    %get3A_53 = arith.constant 0 : index
    %get3A_54 = arith.constant 3 : index
    %get3A_55 = vector.load %arg4[%get3A_53, %get3A_54] : memref<2000x4xf32, #tpu.memory_space<vmem>>, vector<2000x1xf32>
    %mul3A_56 = arith.mulf %get3A_55, %select_n3A : vector<2000x1xf32>
    %slice3A_57 = vector.extract_strided_slice %dot_general3A_27 {offsets = [0, 384], sizes = [2000, 128], strides = [1, 1]} : vector<2000x512xf32> to vector<2000x128xf32>
    %mul3A_58 = vector.broadcast %mul3A_56 : vector<2000x1xf32> to vector<2000x128xf32>
    %mul3A_59 = arith.mulf %mul3A_58, %slice3A_57 : vector<2000x128xf32>
    %add3A_60 = arith.addf %add3A_52, %mul3A_59 : vector<2000x128xf32>
    %swap3A = arith.constant 0 : index
    %swap3A_61 = arith.constant 0 : index
    %swap3A_62 = vector.load %arg6[%swap3A, %swap3A_61] : memref<2000x128xf32, #tpu.memory_space<vmem>>, vector<2000x128xf32>
    tpu.vector_store %arg6[%swap3A, %swap3A_61], %add3A_60 {strides = array<i32>} : memref<2000x128xf32, #tpu.memory_space<vmem>>, vector<2000x128xf32>,
    return
  }
  func.func @transform_0(%arg0: i32) -> (i32, i32, i32) {
    %c0_i32 = arith.constant 0 : i32
    %c0_i32_0 = arith.constant 0 : i32
    %c0_i32_1 = arith.constant 0 : i32
    return %c0_i32, %arg0, %c0_i32_0 : i32, i32, i32
  }
  func.func @transform_1(%arg0: i32) -> (i32, i32, i32) {
    %c0_i32 = arith.constant 0 : i32
    %c0_i32_0 = arith.constant 0 : i32
    %c0_i32_1 = arith.constant 0 : i32
    return %c0_i32, %arg0, %c0_i32_0 : i32, i32, i32
  }
  func.func @transform_2(%arg0: i32) -> (i32, i32) {
    %c0_i32 = arith.constant 0 : i32
    %c0_i32_0 = arith.constant 0 : i32
    return %arg0, %c0_i32 : i32, i32
  }
  func.func @transform_3(%arg0: i32) -> (i32, i32) {
    %c0_i32 = arith.constant 0 : i32
    %c0_i32_0 = arith.constant 0 : i32
    return %arg0, %c0_i32 : i32, i32
  }
  func.func @transform_4(%arg0: i32) -> (i32, i32) {
    %c0_i32 = arith.constant 0 : i32
    %c0_i32_0 = arith.constant 0 : i32
    %c0_i32_1 = arith.constant 0 : i32
    return %c0_i32, %c0_i32_0 : i32, i32
  }
  func.func @transform_5(%arg0: i32) -> (i32, i32) {
    %c0_i32 = arith.constant 0 : i32
    %c0_i32_0 = arith.constant 0 : i32
    return %arg0, %c0_i32 : i32, i32
  }
}

module attributes {stable_mosaic.version = 14 : i64} {
  func.func @_xpart_body(%arg0: i32, %arg1: memref<2000x128xf32, #tpu.memory_space<vmem>>, %arg2: memref<2000x4xf32, #tpu.memory_space<vmem>>, %arg3: memref<128x512xf32, #tpu.memory_space<vmem>>, %arg4: memref<2000x128xf32, #tpu.memory_space<vmem>>) attributes {dimension_semantics = [#tpu.dimension_semantics<arbitrary>], iteration_bounds = array<i64: 5>, scalar_prefetch = 0 : i64, scratch_operands = 0 : i64, tpu.core_type = #tpu.core_type<tc>, window_params = [{transform_indices = @transform_0, window_bounds = array<i64: 2000, 128>}, {transform_indices = @transform_1, window_bounds = array<i64: 2000, 4>}, {pipeline_mode = #tpu.pipeline_mode<synchronous>, transform_indices = @transform_2, window_bounds = array<i64: 128, 512>}, {transform_indices = @transform_3, window_bounds = array<i64: 2000, 128>}]} {
    %get3A = arith.constant 0 : index
    %get3A_0 = arith.constant 0 : index
    %get3A_1 = vector.load %arg1[%get3A, %get3A_0] : memref<2000x128xf32, #tpu.memory_space<vmem>>, vector<2000x128xf32>
    %get3A_2 = arith.constant 0 : index
    %get3A_3 = arith.constant 0 : index
    %get3A_4 = vector.load %arg3[%get3A_2, %get3A_3] : memref<128x512xf32, #tpu.memory_space<vmem>>, vector<128x512xf32>
    %dot_general3A = arith.constant dense<0.000000e+00> : vector<2000x512xf32>
    %dot_general3A_5 = tpu.matmul %get3A_1, %get3A_4, %dot_general3A {dimension_numbers = #tpu.dot_dimension_numbers<[1], [0], [0], [1], [0, 0, 1, 1], [], []>, transpose_lhs_hint = false} : vector<2000x128xf32>, vector<128x512xf32>, vector<2000x512xf32> -> vector<2000x512xf32>
    %get3A_6 = arith.constant 0 : index
    %get3A_7 = arith.constant 0 : index
    %get3A_8 = vector.load %arg2[%get3A_6, %get3A_7] : memref<2000x4xf32, #tpu.memory_space<vmem>>, vector<2000x1xf32>
    %slice3A = vector.extract_strided_slice %dot_general3A_5 {offsets = [0, 0], sizes = [2000, 128], strides = [1, 1]} : vector<2000x512xf32> to vector<2000x128xf32>
    %mul3A = vector.broadcast %get3A_8 : vector<2000x1xf32> to vector<2000x128xf32>
    %mul3A_9 = arith.mulf %mul3A, %slice3A : vector<2000x128xf32>
    %add3A = arith.addf %get3A_1, %mul3A_9 : vector<2000x128xf32>
    %get3A_10 = arith.constant 0 : index
    %get3A_11 = arith.constant 1 : index
    %get3A_12 = vector.load %arg2[%get3A_10, %get3A_11] : memref<2000x4xf32, #tpu.memory_space<vmem>>, vector<2000x1xf32>
    %slice3A_13 = vector.extract_strided_slice %dot_general3A_5 {offsets = [0, 128], sizes = [2000, 128], strides = [1, 1]} : vector<2000x512xf32> to vector<2000x128xf32>
    %mul3A_14 = vector.broadcast %get3A_12 : vector<2000x1xf32> to vector<2000x128xf32>
    %mul3A_15 = arith.mulf %mul3A_14, %slice3A_13 : vector<2000x128xf32>
    %add3A_16 = arith.addf %add3A, %mul3A_15 : vector<2000x128xf32>
    %get3A_17 = arith.constant 0 : index
    %get3A_18 = arith.constant 2 : index
    %get3A_19 = vector.load %arg2[%get3A_17, %get3A_18] : memref<2000x4xf32, #tpu.memory_space<vmem>>, vector<2000x1xf32>
    %slice3A_20 = vector.extract_strided_slice %dot_general3A_5 {offsets = [0, 256], sizes = [2000, 128], strides = [1, 1]} : vector<2000x512xf32> to vector<2000x128xf32>
    %mul3A_21 = vector.broadcast %get3A_19 : vector<2000x1xf32> to vector<2000x128xf32>
    %mul3A_22 = arith.mulf %mul3A_21, %slice3A_20 : vector<2000x128xf32>
    %add3A_23 = arith.addf %add3A_16, %mul3A_22 : vector<2000x128xf32>
    %get3A_24 = arith.constant 0 : index
    %get3A_25 = arith.constant 3 : index
    %get3A_26 = vector.load %arg2[%get3A_24, %get3A_25] : memref<2000x4xf32, #tpu.memory_space<vmem>>, vector<2000x1xf32>
    %slice3A_27 = vector.extract_strided_slice %dot_general3A_5 {offsets = [0, 384], sizes = [2000, 128], strides = [1, 1]} : vector<2000x512xf32> to vector<2000x128xf32>
    %mul3A_28 = vector.broadcast %get3A_26 : vector<2000x1xf32> to vector<2000x128xf32>
    %mul3A_29 = arith.mulf %mul3A_28, %slice3A_27 : vector<2000x128xf32>
    %add3A_30 = arith.addf %add3A_23, %mul3A_29 : vector<2000x128xf32>
    %swap3A = arith.constant 0 : index
    %swap3A_31 = arith.constant 0 : index
    %swap3A_32 = vector.load %arg4[%swap3A, %swap3A_31] : memref<2000x128xf32, #tpu.memory_space<vmem>>, vector<2000x128xf32>
    tpu.vector_store %arg4[%swap3A, %swap3A_31], %add3A_30 {strides = array<i32>} : memref<2000x128xf32, #tpu.memory_space<vmem>>, vector<2000x128xf32>,
    return
  }
  func.func @transform_0(%arg0: i32) -> (i32, i32) {
    %c0_i32 = arith.constant 0 : i32
    %c0_i32_0 = arith.constant 0 : i32
    return %arg0, %c0_i32 : i32, i32
  }
  func.func @transform_1(%arg0: i32) -> (i32, i32) {
    %c0_i32 = arith.constant 0 : i32
    %c0_i32_0 = arith.constant 0 : i32
    return %arg0, %c0_i32 : i32, i32
  }
  func.func @transform_2(%arg0: i32) -> (i32, i32) {
    %c0_i32 = arith.constant 0 : i32
    %c0_i32_0 = arith.constant 0 : i32
    %c0_i32_1 = arith.constant 0 : i32
    return %c0_i32, %c0_i32_0 : i32, i32
  }
  func.func @transform_3(%arg0: i32) -> (i32, i32) {
    %c0_i32 = arith.constant 0 : i32
    %c0_i32_0 = arith.constant 0 : i32
    return %arg0, %c0_i32 : i32, i32
  }
}

</mosaic_0001>

<sc_bundles>
// kernel: kernel.10.cloned.1.call-start
scs
__scs_entry_jumppad:
0x0: {  	(pc) =	sbr.rel $0x88, $3  }
0x1: {  	(tag) =	ssettag $0x0;
	lr =	simm.s32 $0x1  }
0x2: {  	[smem:$0x3F9D] =	sst lr;
	_ =	strace $0xD0000000  }
0x3: {  	_ = 	snop  }
0x4: {  	_ = 	snop  }
0x5: {  	_ = 	snop  }
0x6: {  	_ = 	snop  }
0x7: {  	_ = 	snop  }
__scs_overlays_trampoline_lowered:
0x8: {  	[smem:$0x3FAC] =	sst s0  }
0x9: {  	[smem:$0x3FAD] =	sst s1  }
0xa: {  	[smem:$0x3FAE] =	sst s2  }
0xb: {  	[smem:$0x3FAF] =	sst s3  }
0xc: {  	[smem:$0x3FB0] =	sst s4  }
0xd: {  	[smem:$0x3FB1] =	sst s5  }
0xe: {  	[smem:$0x3FB2] =	sst s6  }
0xf: {  	[smem:$0x3FB3] =	sst s7  }
0x10: {  	[smem:$0x3FB4] =	sst s8  }
0x11: {  	[smem:$0x3FB5] =	sst s9;
	s0 =	simm.s32 @!p0 $0x0  }
0x12: {  	s1 =	sld [smem:$0x3F9B];
	s0 =	simm.s32 @p0 $0x1  }
0x13: {  	[smem:$0x3FB6] =	sst s0;
	s0 =	simm.s32 @!p1 $0x0  }
0x14: {  	s2 =	sld [smem:$0x3F9A];
	s0 =	simm.s32 @p1 $0x1  }
0x15: {  	[smem:$0x3FB7] =	sst s0;
	s0 =	simm.s32 @!p2 $0x0  }
0x16: {  	s3 =	sld [smem:$0x3FDB];
	s0 =	simm.s32 @p2 $0x1  }
0x17: {  	s4 =	simm.s32 $0x1BF5;
	[smem:$0x3FB9] =	sst s0  }
0x18: {  	s0 =	sld [smem:$0x3F9C];
	_ =	swait.ge [sflag:s4], $0x0  }
0x19: {  	s7 =	sld [smem:$0x3F9D]  }
0x1a: {  	s8 =	sadd.s32 $0xFFFFE003, lr  }
0x1b: {  	s9 =	sadd.s32 $0xFFFFFEF7, lr;
	s5 =	simm.s32 $0xFFFFFFFF;
	p2 =	slt.u32 s8, $0xFFFFF086  }
0x1c: {  	p1 =	slt.u32 s9, $0xF7A;
	s5 =	simm.s32 @!p2 $0x0  }
0x1d: {  	s5 =	simm.s32 @p1 $0x1;
	p0 =	seq.s32 s7, s2  }
0x1e: {  	s7 =	smul.u32 @!p0 $0xF7A, s2;
	p2 =	seq.s32 @!p0 s5, $0x0  }
0x1f: {  	s9 =	smul.u32 $0xF7A, s1;
	s8 =	simm.s32 @!p0 $0x1BF5;
	p2 =	por !p2, p0  }
0x20: {  	[sflag:s8] =	ssyncset.s32 @!p0 $0xFFFFF086;
	s6 =	sadd.s32 @!p0 s3, s7;
	s7 =	simm.s32 @!p0 $0x108  }
0x21: {  	s3 =	sadd.s32 s3, s9;
	s6 =	sadd.s32 @!p0 $0x88, s6;
	s7 =	simm.s32 @p2 $0x1082  }
0x22: {  	[simem:s7], [sflag:s8] =	dma.local @!p0 [hbm:s6], $0xF7A  }
0x23: {  	s9 =	sor.u32 $0xD0000000, s2;
	s6 =	simm.s32 $0x108;
	_ =	swait.ge @!p0 [sflag:s8], $0x0  }
0x24: {  	s3 =	sadd.s32 $0x88, s3;
	s6 =	simm.s32 @!p1 $0x1082;
	[sflag:s4] =	ssyncset.s32 $0xFFFFF086  }
0x25: {  	[simem:s6], [sflag:s4] =	dma.local [hbm:s3], $0xF7A  }
0x26: {  	[smem:$0x3F9D] =	sst s1;
	(tag) =	ssettag s2;
	_ =	strace s9  }
0x27: {  	s1 =	sld [smem:$0x3FAD]  }
0x28: {  	s2 =	sld [smem:$0x3FAE]  }
0x29: {  	s4 =	sld [smem:$0x3FB0]  }
0x2a: {  	p0 =	seq.s32 s5, $0x0;
	s5 =	sld [smem:$0x3FB1]  }
0x2b: {  	s6 =	sld [smem:$0x3FB2]  }
0x2c: {  	s7 =	sld [smem:$0x3FB3]  }
0x2d: {  	s3 =	simm.s32 $0x108;
	s8 =	sld [smem:$0x3FB4]  }
0x2e: {  	s3 =	simm.s32 @!p0 $0x1082;
	s9 =	sld [smem:$0x3FB5]  }
0x2f: {  	lr =	sadd.s32 s0, s3;
	s0 =	sld [smem:$0x3FAC]  }
0x30: {  	s3 =	sld [smem:$0x3FAF]  }
0x31: {  	[smem:$0x3FB8] =	sst s10  }
0x32: {  	s10 =	sld [smem:$0x3FB6];
	_ =	sdelay $0x3  }
0x33: {  	p0 =	seq.s32 s10, $0x1;
	s10 =	sld [smem:$0x3FB8];
	_ =	sdelay $0x3  }
0x34: {  	[smem:$0x3FB8] =	sst s10  }
0x35: {  	s10 =	sld [smem:$0x3FB7];
	_ =	sdelay $0x3  }
0x36: {  	p1 =	seq.s32 s10, $0x1;
	s10 =	sld [smem:$0x3FB8];
	_ =	sdelay $0x3  }
0x37: {  	[smem:$0x3FB8] =	sst s10  }
0x38: {  	s10 =	sld [smem:$0x3FB9]  }
0x39: {  	_ = 	snop;
	(pc) =	sbr.ind lr, $3  }
0x3a: {  	_ = 	snop  }
0x3b: {  	_ = 	snop  }
0x3c: {  	p2 =	seq.s32 s10, $0x1;
	s10 =	sld [smem:$0x3FB8]  }
0x3d: {  	_ =	shalt  }
0x3e: {  	_ =	shalt  }
0x3f: {  	_ =	shalt  }
0x40: {  	_ =	shalt  }
0x41: {  	_ =	shalt  }
0x42: {  	_ =	shalt  }
0x43: {  	_ =	shalt  }
0x44: {  	_ =	shalt  }
0x45: {  	_ =	shalt  }
0x46: {  	_ =	shalt  }
0x47: {  	_ =	shalt  }
0x48: {  	_ =	shalt  }
0x49: {  	_ =	shalt  }
0x4a: {  	_ =	shalt  }
0x4b: {  	_ =	shalt  }
0x4c: {  	_ =	shalt  }
0x4d: {  	_ =	shalt  }
0x4e: {  	_ =	shalt  }
0x4f: {  	_ =	shalt  }
0x50: {  	_ =	shalt  }
0x51: {  	_ =	shalt  }
0x52: {  	_ =	shalt  }
0x53: {  	_ =	shalt  }
0x54: {  	_ =	shalt  }
0x55: {  	_ =	shalt  }
0x56: {  	_ =	shalt  }
0x57: {  	_ =	shalt  }
0x58: {  	_ =	shalt  }
0x59: {  	_ =	shalt  }
0x5a: {  	_ =	shalt  }
0x5b: {  	_ =	shalt  }
0x5c: {  	_ =	shalt  }
0x5d: {  	_ =	shalt  }
0x5e: {  	_ =	shalt  }
0x5f: {  	_ =	shalt  }
0x60: {  	_ =	shalt  }
0x61: {  	_ =	shalt  }
0x62: {  	_ =	shalt  }
0x63: {  	_ =	shalt  }
0x64: {  	_ =	shalt  }
0x65: {  	_ =	shalt  }
0x66: {  	_ =	shalt  }
0x67: {  	_ =	shalt  }
0x68: {  	_ =	shalt  }
0x69: {  	_ =	shalt  }
0x6a: {  	_ =	shalt  }
0x6b: {  	_ =	shalt  }
0x6c: {  	_ =	shalt  }
0x6d: {  	_ =	shalt  }
0x6e: {  	_ =	shalt  }
0x6f: {  	_ =	shalt  }
0x70: {  	_ =	shalt  }
0x71: {  	_ =	shalt  }
0x72: {  	_ =	shalt  }
0x73: {  	_ =	shalt  }
0x74: {  	_ =	shalt  }
0x75: {  	_ =	shalt  }
0x76: {  	_ =	shalt  }
0x77: {  	_ =	shalt  }
0x78: {  	_ =	shalt  }
0x79: {  	_ =	shalt  }
0x7a: {  	_ =	shalt  }
0x7b: {  	_ =	shalt  }
0x7c: {  	_ =	shalt  }
0x7d: {  	_ =	shalt  }
0x7e: {  	_ =	shalt  }
0x7f: {  	_ =	shalt  }
0x80: {  	_ =	shalt  }
0x81: {  	_ =	shalt  }
0x82: {  	_ =	shalt  }
0x83: {  	_ =	shalt  }
0x84: {  	_ =	shalt  }
0x85: {  	_ =	shalt  }
0x86: {  	_ =	shalt  }
0x87: {  	_ =	shalt  }
.Lfunc_end0:
.L_simem_size_0:
called_computation.1_lowered:
.L_overlay_start_0:
0x88: {  	s2 =	sld [smem:$0x3FD9]  }
0x89: {  	s3 =	sld [smem:$0x3FFE];
	_ =	sdelay $0x1  }
0x8a: {  	s1 =	srdreg.scid  }
0x8b: {  	s0 =	sand.u32 $0x1, s1  }
0x8c: {  	s17 =	sshll.u32 s0, $0xA;
	s2 =	sadd.s32 s3, s2  }
0x8d: {  	s2 =	sadd.s32 s2, s17  }
0x8e: {  	[smem:$0x3FC4] =	sst s2  }
0x8f: {  	_ = 	snop  }
0x90: {  	s2 =	sld [smem:$0x3FD0];
	(tm) =	ssettm $0x1  }
0x91: {  	s18 =	sld [smem:$0x3FFB];
	_ =	sdelay $0x3  }
0x92: {  	_ =	strace s18  }
0x93: {  	s3 =	sld [smem:$0x3FFC];
	_ =	sdelay $0x3  }
0x94: {  	_ =	strace s3  }
0x95: {  	s3 =	sld [smem:$0x3FFD];
	_ =	sdelay $0x3  }
0x96: {  	_ =	strace s3  }
0x97: {  	_ =	strace $0x8FFFFFFF  }
0x98: {  	s19 =	sld [smem:$0x3FDB];
	_ =	sdelay $0x1  }
0x99: {  	s4 =	simm.s32 $_scs_section_size  }
0x9a: {  	s5 =	simm.s32 $_size__tile_overlayer_lowered;
	s6 =	simm.s32 $_tile_overlayer_lowered  }
0x9b: {  	s22 =	simm.s32 $0x1BFF;
	s21 =	sshll.u32 s6, $0x1;
	s3 =	sadd.s32 s4, s19  }
0x9c: {  	s7 =	simm.s32 $0x0;
	s20 =	sshll.u32 s5, $0x1;
	s5 =	sadd.s32 s21, s3  }
0x9d: {  	[timem:s7], [sflag:s22] =	dma.local [hbm:s5], s20  }
0x9e: {  	_ =	swait.ge [sflag:s22], s20  }
0x9f: {  	s4 =	ssub.s32 $0x0, s20;
	[sflag:s22] =	ssyncset.done $0x0  }
0xa0: {  	[sflag:s22] =	ssyncadd.s32 s4;
	_ =	sdelay $0x1  }
0xa1: {  	s23 =	simm.s32 $0x1B8B  }
0xa2: {  	_ =	swait.ge [sflag:s23], $0x1  }
0xa3: {  	[sflag:s23] =	ssyncset.done $0x0  }
0xa4: {  	s25 =	simm.s32 $0x1B8E;
	s24 =	sld [smem:$0x3FFE];
	[sflag:s23] =	ssyncadd.s32 $0xFFFFFFFF  }
0xa5: {  	s26 =	simm.s32 $execute0_lowered;
	[smem:$0x3FD2] =	sst s25  }
0xa6: {  	s5 =	sshll.u32 s26, $0x1;
	_ =	strace $0x80000049;
	[dreg:$0x1] =	wrdreg $0xFFFFFFFF  }
0xa7: {  	s28 =	simm.s32 $_size_execute0_lowered;
	s3 =	sadd.s32 s3, s5;
	[dreg:$0x0] =	wrdreg $0x0  }
0xa8: {  	s5 =	sshll.u32 s28, $0x1;
	[dreg:$0x2] =	wrdreg s3  }
0xa9: {  	[dreg:$0x3] =	wrdreg s5  }
0xaa: {  	[dreg:$0x4] =	wrdreg $0xC0  }
0xab: {  	_ =	task [dreg:s7], $0x5FFFF  }
0xac: {  	[dreg:$0x1] =	wrdreg $0xFFFFFFFF  }
0xad: {  	[dreg:$0x0] =	wrdreg $0x60  }
0xae: {  	[dreg:$0x2] =	wrdreg s24  }
0xaf: {  	[dreg:$0x3] =	wrdreg s2  }
0xb0: {  	[dreg:$0x4] =	wrdreg $0xB9800  }
0xb1: {  	[dreg:$0x5] =	wrdreg $0x9  }
0xb2: {  	_ =	task.clear_ibuf [dreg:s7], $0x6FFFF;
	_ =	strace $0x90000049  }
0xb3: {  	s29 =	simm.s32 $0x9;
	_ =	strace $0x8000004B  }
0xb4: {  	_ =	swait.ge [sflag:s29], $0x1  }
0xb5: {  	[sflag:s29] =	ssyncadd.s32 $0xFFFFFFFF  }
0xb6: {  	_ =	strace $0x9000004B  }
0xb7: {  	_ =	sfence  }
0xb8: {  	s30 =	sld [smem:$0x0];
	_ =	sdelay $0x2  }
0xb9: {  	s31 =	sshll.u32 s1, $0xD;
	s1 =	sshrl.u32 s1, $0x2  }
0xba: {  	s3 =	sand.u32 $0x4000, s31;
	s1 =	sadd.s32 s1, s30  }
0xbb: {  	s0 =	sor.u32 s3, s0;
	s1 =	sshll.u32 s1, $0x11  }
0xbc: {  	s0 =	sor.u32 s1, s0  }
0xbd: {  	s0 =	sadd.s32 $0x8F2B, s0  }
0xbe: {  	[sflag:s0] =	ssyncadd.remote.s32 $0x1  }
0xbf: {  	_ =	sfence.sel $0xFFFF  }
0xc0: {  	[dreg:$0x0] =	wrdreg $0xFFFFFFFF;
	(pc) =	sbr.abs _section_cstart, $3  }
0xc1: {  	[dreg:$0x1] =	wrdreg $0xFFFFFFFF  }
0xc2: {  	_ =	task.clear_ibuf [dreg:s7], $0x2FFFF;
	_ =	strace $0x9FFFFFFF  }
0xc3: {  	(tm) =	ssettm $0x7FFFFFFF  }
tec
execute0_lowered:
.L_overlay_start_1:
0x0: {  	(tag) =	ssettag $0x1  }
0x1: {  	s0 =	rddreg [dreg:$0x0]  }
0x2: {  	s1 =	srdreg.scid;
	s2 =	rddreg [dreg:$0x1]  }
0x3: {  	s9 =	stileid.u32;
	s3 =	rddreg [dreg:$0x2]  }
0x4: {  	s4 =	simm.s32 $0x0;
	s28 =	simm.s32 $0x1;
	s29 =	simm.s32 $0x4  }
0x5: {  	s30 =	simm.s32 $0x8;
	s31 =	simm.s32 $0x2;
	s6 =	smul.u32 $0x14000, s9  }
0x6: {  	s1 =	sand.u32 $0x1, s1;
	s8 =	sshll.u32 s9, $0xE;
	s9 =	smul.u32 $0x50000, s9  }
0x7: {  	s10 =	simm.s32 $0x0;
	[smem:$0x7FF] =	sst s4;
	s5 =	smul.u32 $0x140000, s1  }
0x8: {  	_ =	strace $0x8000004A;
	s7 =	sshll.u32 s1, $0x12;
	s1 =	ssub.s32 $0x2, s1  }
0x9: {  	s18 =	sor.u32 s8, s7;
	s19 =	sshrl.u32 s1, $0x1;
	s9 =	sshrl.u32 s9, $0x2  }
0xa: {  	s6 =	sadd.s32 s6, s5;
	s5 =	sadd.s32 $0x1E00, s0;
	s7 =	sadd.s32 s9, s3  }
0xb: {  	s8 =	sshrl.u32 s18, $0x3;
	s1 =	ssub.s32 s1, s19;
	s9 =	sadd.s32 $0x2800, s7  }
0xc: {  	s13 =	sor.u32 $0x80000, s18;
	s20 =	sadd.s32 $0x5000, s7;
	[dreg:$0x4] =	wrdreg s9  }
0xd: {  	s6 =	sshrl.u32 s6, $0x3;
	s21 =	sadd.s32 $0x7800, s7;
	[dreg:$0x5] =	wrdreg s20  }
0xe: {  	s8 =	sadd.s32 s5, s8;
	s22 =	sadd.s32 $0xA000, s7;
	[dreg:$0x6] =	wrdreg s21  }
0xf: {  	s23 =	sadd.s32 $0xC800, s7;
	s24 =	sadd.s32 $0xF000, s7;
	[dreg:$0x7] =	wrdreg s22  }
0x10: {  	s25 =	sadd.s32 $0x11800, s7;
	s26 =	sshrl.u32 s13, $0x3;
	[dreg:$0x8] =	wrdreg s23  }
0x11: {  	s19 =	smax.u32 s1, $0x1;
	s1 =	simm.s32 $0x5;
	[dreg:$0x9] =	wrdreg s24  }
0x12: {  	s0 =	sadd.s32 s6, s0;
	[dreg:$0xa] =	wrdreg s25;
	s6 =	sadd.s32 s5, s26  }
.Ltmp0:
0x13: {  	s16 =	smov.u32 s8;
	s17 =	sadd.s32 $0x10010, s8;
	(pc) =	sbr.rel .LBB2_1-.Ltmp0, $4  }
0x14: {  	s20 =	simm.s32 $0x7;
	s21 =	simm.s32 $0x4180;
	s22 =	simm.s32 $0x4000  }
0x15: {  	s23 =	simm.s32 $0x4080;
	s24 =	simm.s32 $0x50;
	s26 =	simm.s32 $0x6980  }
0x16: {  	s25 =	simm.s32 $0x6;
	s8 =	simm.s32 $0x4100;
	s9 =	simm.s32 $0x9180  }
0x17: {  	v0 =	vimm.f32 $0.0e+00;
	[dreg:$0xb] =	wrdreg s6;
	s18 =	sadd.s32 $0x71E00, s0;
	s0 =	simm.s32 $0x3  }
.LBB2_6:
0x18: {  	_ =	swait.ge [sflag:s1], $0x80  }
0x19: {  	[sflag:s1] =	ssyncset.done $0x0  }
0x1a: {  	[sflag:s1] =	ssyncadd.s32 $0xFFFFFF80  }
0x1b: {  	[spmem:s3] =	stream.indirect.scatter.add.f32 [tilespmem:s26], [sflag:$0x8], $0x80, s23, s24, $0xb8;
	[tilespmem:$0x1F980] =	vst v63  }
0x1c: {  	s6 =	stileid.u32;
	_ =	swait.ge [sflag:s30], $0x2800  }
0x1d: {  	s11 =	sshrl.u32 s7, $0x3;
	s10 =	sadd.s32 $0x1, s10;
	[sflag:s30] =	ssyncset.done $0x0  }
0x1e: {  	s6 =	sshll.u32 s6, $0x6;
	p0 =	sne.s32 s10, s19;
	[sflag:s30] =	ssyncadd.s32 $0xFFFFD800  }
.Ltmp1:
0x1f: {  	s6 =	sor.u32 $0x1C07, s6;
	[bflag:$0x0] =	sbarrier.arrive $0xFFFF;
	(pc) =	sbr.rel @!p0 .LBB2_7-.Ltmp1, $4  }
0x20: {  	[hbm:s18], [sflag:s6] =	dma.local [spmem:s11], $0x2800  }
0x21: {  	_ =	swait.ge [sflag:s20], $0x2800  }
0x22: {  	[sflag:s20] =	ssyncset.done $0x0  }
0x23: {  	[sflag:s20] =	ssyncadd.s32 $0xFFFFD800  }
.LBB2_1:
0x24: {  	s6 =	sand.u32 $0xFE00, s4  }
0x25: {  	s12 =	sand.u32 $0x70, s4;
	s6 =	sshrl.u32 s6, $0x2  }
0x26: {  	s11 =	simm.s32 $0x40;
	s6 =	sor.u32 s12, s6;
	s12 =	simm.s32 $0x0  }
.LBB2_2:
0x27: {  	p0 =	sne.s32 s11, $0x9FC0  }
0x28: {  	[tilespmem:s6+$0x4180] =	vst v0;
	s12 =	sadd.s32 $0x10, s12;
	s6 =	smov.u32 s11;
	s11 =	sadd.s32 $0x40, s11  }
.Ltmp2:
0x29: {  	(pc) =	sbr.rel @p0 .LBB2_2-.Ltmp2, $4  }
0x2a: {  	_ = 	snop  }
0x2b: {  	s6 =	sand.u32 $0xFE00, s6  }
0x2c: {  	s14 =	sand.u32 $0x70, s12;
	s6 =	sshrl.u32 s6, $0x2  }
0x2d: {  	s6 =	sor.u32 s14, s6  }
0x2e: {  	[tilespmem:s6+$0x4180] =	vst v0  }
0x2f: {  	[tilespmem:s4], [sflag:$0x7] =	stream.linear.gather [hbm4b:s16+s4], $0x3E80, $0x38;
	[tilespmem:$0x1F980] =	vst v63  }
0x30: {  	_ =	swait.ge [sflag:s20], $0x3E80  }
0x31: {  	[sflag:s20] =	ssyncset.done $0x0  }
0x32: {  	[sflag:s20] =	ssyncadd.s32 $0xFFFFC180  }
0x33: {  	[spmem:s7] =	stream.linear.scatter [tilespmem:s21], [sflag:$0x7], $0x2800, $0x38;
	[tilespmem:$0x1F980] =	vst v63  }
0x34: {  	_ =	swait.ge [sflag:s20], $0x2800  }
0x35: {  	[sflag:s20] =	ssyncset.done $0x0  }
0x36: {  	s15 =	rddreg [dreg:$0x4];
	[sflag:s20] =	ssyncadd.s32 $0xFFFFD800  }
0x37: {  	[spmem:s15] =	stream.linear.scatter [tilespmem:s21], [sflag:$0x7], $0x2800, $0x38;
	[tilespmem:$0x1F980] =	vst v63  }
0x38: {  	_ =	swait.ge [sflag:s20], $0x2800  }
0x39: {  	[sflag:s20] =	ssyncset.done $0x0  }
0x3a: {  	s11 =	rddreg [dreg:$0x5];
	[sflag:s20] =	ssyncadd.s32 $0xFFFFD800  }
0x3b: {  	[spmem:s11] =	stream.linear.scatter [tilespmem:s21], [sflag:$0x7], $0x2800, $0x38;
	[tilespmem:$0x1F980] =	vst v63  }
0x3c: {  	_ =	swait.ge [sflag:s20], $0x2800  }
0x3d: {  	[sflag:s20] =	ssyncset.done $0x0  }
0x3e: {  	s12 =	rddreg [dreg:$0x6];
	[sflag:s20] =	ssyncadd.s32 $0xFFFFD800  }
0x3f: {  	[spmem:s12] =	stream.linear.scatter [tilespmem:s21], [sflag:$0x7], $0x2800, $0x38;
	[tilespmem:$0x1F980] =	vst v63  }
0x40: {  	_ =	swait.ge [sflag:s20], $0x2800  }
0x41: {  	[sflag:s20] =	ssyncset.done $0x0  }
0x42: {  	s14 =	rddreg [dreg:$0x7];
	[sflag:s20] =	ssyncadd.s32 $0xFFFFD800  }
0x43: {  	[spmem:s14] =	stream.linear.scatter [tilespmem:s21], [sflag:$0x7], $0x2800, $0x38;
	[tilespmem:$0x1F980] =	vst v63  }
0x44: {  	_ =	swait.ge [sflag:s20], $0x2800  }
0x45: {  	[sflag:s20] =	ssyncset.done $0x0  }
0x46: {  	s15 =	rddreg [dreg:$0x8];
	[sflag:s20] =	ssyncadd.s32 $0xFFFFD800  }
0x47: {  	[spmem:s15] =	stream.linear.scatter [tilespmem:s21], [sflag:$0x7], $0x2800, $0x38;
	[tilespmem:$0x1F980] =	vst v63  }
0x48: {  	_ =	swait.ge [sflag:s20], $0x2800  }
0x49: {  	[sflag:s20] =	ssyncset.done $0x0  }
0x4a: {  	s11 =	rddreg [dreg:$0x9];
	[sflag:s20] =	ssyncadd.s32 $0xFFFFD800  }
0x4b: {  	[spmem:s11] =	stream.linear.scatter [tilespmem:s21], [sflag:$0x7], $0x2800, $0x38;
	[tilespmem:$0x1F980] =	vst v63  }
0x4c: {  	_ =	swait.ge [sflag:s20], $0x2800  }
0x4d: {  	[sflag:s20] =	ssyncset.done $0x0  }
0x4e: {  	s12 =	rddreg [dreg:$0xa];
	[sflag:s20] =	ssyncadd.s32 $0xFFFFD800  }
0x4f: {  	[spmem:s12] =	stream.linear.scatter [tilespmem:s21], [sflag:$0x7], $0x2800, $0x38;
	[tilespmem:$0x1F980] =	vst v63  }
0x50: {  	_ =	swait.ge [sflag:s20], $0x2800  }
0x51: {  	[sflag:s20] =	ssyncset.done $0x0  }
0x52: {  	[sflag:s20] =	ssyncadd.s32 $0xFFFFD800  }
0x53: {  	[bflag:$0x0] =	sbarrier.arrive $0xFFFF  }
0x54: {  	s14 =	rddreg [dreg:$0xb]  }
0x55: {  	[tilespmem:s22], [sflag:$0x4] =	stream.linear.gather [hbm4b:s14+s4], $0x80, $0x38;
	[tilespmem:$0x1F980] =	vst v63  }
0x56: {  	_ = 	snop  }
0x57: {  	[tilespmem:s23], [sflag:$0x5] =	stream.linear.gather [hbm4b:s17+s4], $0x80, $0x38;
	[tilespmem:$0x1F980] =	vst v63  }
0x58: {  	_ = 	snop  }
0x59: {  	[tilespmem:s21], [sflag:$0x1] =	stream.indirect.gather [hbm4b:s2+s24], $0x80, s4, s24, $0xb8;
	[tilespmem:$0x1F980] =	vst v63  }
0x5a: {  	s15 =	simm.s32 $0x80;
	s11 =	simm.s32 $0x100;
	s12 =	simm.s32 $0x200  }
0x5b: {  	[tilespmem:s26], [sflag:$0x2] =	stream.indirect.gather [hbm4b:s2+s24], $0x80, s15, s24, $0xb8;
	[tilespmem:$0x1F980] =	vst v63  }
.LBB2_4:
0x5c: {  	_ =	swait.ge [sflag:s28], $0x2800  }
0x5d: {  	p0 =	seq.s32 s12, $0x3F80;
	[sflag:s28] =	ssyncset.done $0x0  }
0x5e: {  	s6 =	simm.s32 @!p0 $0x50;
	s14 =	simm.s32 @!p0 $0x9180;
	[sflag:s28] =	ssyncadd.s32 $0xFFFFD800  }
0x5f: {  	[tilespmem:s14], [sflag:$0x3] =	stream.indirect.gather @!p0 [hbm4b:s2+s6], $0x80, s11, s6, $0xb8;
	[tilespmem:$0x1F980] =	vst v63  }
0x60: {  	s6 =	sadd.s32 @!p0 $0xFFFFFF00, s12  }
0x61: {  	s14 =	sand.u32 @!p0 $0xFC00, s6  }
0x62: {  	s6 =	sand.u32 @!p0 $0x380, s6;
	s14 =	sadd.s32 @!p0 s13, s14  }
0x63: {  	s6 =	sor.u32 @!p0 s6, s14  }
0x64: {  	s6 =	sshrl.u32 @!p0 s6, $0x3  }
0x65: {  	s15 =	simm.s32 @!p0 $0x4100;
	s14 =	simm.s32 @!p0 $0x0;
	s6 =	sadd.s32 @!p0 s5, s6  }
0x66: {  	[tilespmem:s15], [sflag:$0x6] =	stream.linear.gather @!p0 [hbm4b:s6+s14], $0x80, $0x38;
	[tilespmem:$0x1F980] =	vst v63  }
0x67: {  	_ =	swait.ge [sflag:s29], $0x80  }
0x68: {  	[sflag:s29] =	ssyncset.done $0x0  }
0x69: {  	[sflag:s29] =	ssyncadd.s32 $0xFFFFFF80  }
0x6a: {  	[spmem:s3] =	stream.indirect.scatter.add.f32 [tilespmem:s21], [sflag:$0x8], $0x80, s22, s24, $0xb8;
	[tilespmem:$0x1F980] =	vst v63  }
0x6b: {  	_ =	swait.ge [sflag:s30], $0x2800  }
.Ltmp3:
0x6c: {  	[sflag:s30] =	ssyncset.done $0x0;
	(pc) =	sbr.rel @p0 .LBB2_6-.Ltmp3, $4  }
0x6d: {  	[sflag:s30] =	ssyncadd.s32 $0xFFFFD800  }
0x6e: {  	_ =	swait.ge [sflag:s31], $0x2800  }
0x6f: {  	[sflag:s31] =	ssyncset.done $0x0  }
0x70: {  	[sflag:s31] =	ssyncadd.s32 $0xFFFFD800  }
0x71: {  	s6 =	sadd.s32 $0x80, s11;
	s15 =	sadd.s32 $0xFFFFFF80, s12  }
0x72: {  	[tilespmem:s21], [sflag:$0x1] =	stream.indirect.gather [hbm4b:s2+s24], $0x80, s6, s24, $0xb8;
	[tilespmem:$0x1F980] =	vst v63  }
0x73: {  	s14 =	sand.u32 $0xFC00, s15  }
0x74: {  	s6 =	sand.u32 $0x380, s15;
	s14 =	sadd.s32 s13, s14  }
0x75: {  	s6 =	sor.u32 s6, s14  }
0x76: {  	s6 =	sshrl.u32 s6, $0x3  }
0x77: {  	s6 =	sadd.s32 s5, s6  }
0x78: {  	[tilespmem:s22], [sflag:$0x4] =	stream.linear.gather [hbm4b:s6+s4], $0x80, $0x38;
	[tilespmem:$0x1F980] =	vst v63  }
0x79: {  	_ =	swait.ge [sflag:s1], $0x80  }
0x7a: {  	[sflag:s1] =	ssyncset.done $0x0  }
0x7b: {  	[sflag:s1] =	ssyncadd.s32 $0xFFFFFF80  }
0x7c: {  	[spmem:s3] =	stream.indirect.scatter.add.f32 [tilespmem:s26], [sflag:$0x8], $0x80, s23, s24, $0xb8;
	[tilespmem:$0x1F980] =	vst v63  }
0x7d: {  	_ =	swait.ge [sflag:s30], $0x2800  }
0x7e: {  	[sflag:s30] =	ssyncset.done $0x0  }
0x7f: {  	[sflag:s30] =	ssyncadd.s32 $0xFFFFD800  }
0x80: {  	_ =	swait.ge [sflag:s0], $0x2800  }
0x81: {  	[sflag:s0] =	ssyncset.done $0x0  }
0x82: {  	s15 =	sadd.s32 $0x100, s11;
	s14 =	sand.u32 $0xFC00, s12;
	[sflag:s0] =	ssyncadd.s32 $0xFFFFD800  }
0x83: {  	[tilespmem:s26], [sflag:$0x2] =	stream.indirect.gather [hbm4b:s2+s24], $0x80, s15, s24, $0xb8;
	[tilespmem:$0x1F980] =	vst v63  }
0x84: {  	s6 =	sadd.s32 s13, s14;
	s15 =	sand.u32 $0x380, s12  }
0x85: {  	s6 =	sor.u32 s15, s6  }
0x86: {  	s6 =	sshrl.u32 s6, $0x3  }
0x87: {  	s6 =	sadd.s32 s5, s6  }
0x88: {  	[tilespmem:s23], [sflag:$0x5] =	stream.linear.gather [hbm4b:s6+s4], $0x80, $0x38;
	[tilespmem:$0x1F980] =	vst v63  }
0x89: {  	_ =	swait.ge [sflag:s25], $0x80  }
0x8a: {  	[sflag:s25] =	ssyncset.done $0x0  }
.Ltmp4:
0x8b: {  	[sflag:s25] =	ssyncadd.s32 $0xFFFFFF80;
	(pc) =	sbr.rel .LBB2_4-.Ltmp4, $4  }
0x8c: {  	[spmem:s3] =	stream.indirect.scatter.add.f32 [tilespmem:s9], [sflag:$0x7], $0x80, s8, s24, $0xb8;
	[tilespmem:$0x1F980] =	vst v63  }
0x8d: {  	_ =	swait.ge [sflag:s20], $0x2800  }
0x8e: {  	[sflag:s20] =	ssyncset.done $0x0  }
0x8f: {  	s11 =	sadd.s32 $0x180, s11;
	s12 =	sadd.s32 $0x180, s12;
	[sflag:s20] =	ssyncadd.s32 $0xFFFFD800  }
.LBB2_7:
0x90: {  	_ =	sfence.sel $0x180000  }
0x91: {  	[bflag:$0x0] =	sbarrier.arrive $0xFFFF  }
0x92: {  	_ =	strace $0x9000004A  }
0x93: {  	s0 =	stileid.u32;
	[bflag:$0x2] =	sbarrier.arrive $0xFFFF  }
0x94: {  	p0 =	sne.s32 s0, $0x0;
	s0 =	rddreg [dreg:$0x3]  }
0x95: {  	s0 =	sadd.s32 @!p0 $0x100000, s0  }
0x96: {  	[sflag:s0] =	ssyncadd.tile.s32 @!p0 $0x1;
	_ =	shalt  }
.Lfunc_end2:
_tile_overlayer_lowered:
.L_overlay_start_2:
0x97: {  	(tag) =	ssettag $0x2  }
0x98: {  	s0 =	rddreg [dreg:$0x0];
	s2 =	stileid.u32  }
0x99: {  	s1 =	rddreg [dreg:$0x1];
	p0 =	sne.s32 s2, $0x0  }
0x9a: {  	s3 =	rddreg [dreg:$0x2];
	[bflag:$0x3] =	sbarrier.arrive $0xFFFF;
	s2 =	simm.s32 @!p0 $0x1C07  }
0x9b: {  	[timem:s3], [sflag:s2] =	dma.local @!p0 [hbm:s0], s1  }
0x9c: {  	s0 =	simm.s32 @!p0 $0x7  }
0x9d: {  	_ =	swait.ge @!p0 [sflag:s0], s1  }
0x9e: {  	s1 =	ssub.s32 @!p0 $0x0, s1;
	[sflag:s0] =	ssyncset.done @!p0 $0x0  }
0x9f: {  	[sflag:s0] =	ssyncadd.s32 @!p0 s1  }
0xa0: {  	[bflag:$0x3] =	sbarrier.arrive $0xFFFF  }
0xa1: {  	_ =	shalt  }

// kernel: kernel.7.cloned.1.call-start
scs
__scs_entry_jumppad:
0x0: {  	(pc) =	sbr.rel $0x88, $3  }
0x1: {  	(tag) =	ssettag $0x0;
	lr =	simm.s32 $0x1  }
0x2: {  	[smem:$0x3F9D] =	sst lr;
	_ =	strace $0xD0000000  }
0x3: {  	_ = 	snop  }
0x4: {  	_ = 	snop  }
0x5: {  	_ = 	snop  }
0x6: {  	_ = 	snop  }
0x7: {  	_ = 	snop  }
__scs_overlays_trampoline_lowered:
0x8: {  	[smem:$0x3FAC] =	sst s0  }
0x9: {  	[smem:$0x3FAD] =	sst s1  }
0xa: {  	[smem:$0x3FAE] =	sst s2  }
0xb: {  	[smem:$0x3FAF] =	sst s3  }
0xc: {  	[smem:$0x3FB0] =	sst s4  }
0xd: {  	[smem:$0x3FB1] =	sst s5  }
0xe: {  	[smem:$0x3FB2] =	sst s6  }
0xf: {  	[smem:$0x3FB3] =	sst s7  }
0x10: {  	[smem:$0x3FB4] =	sst s8  }
0x11: {  	[smem:$0x3FB5] =	sst s9;
	s0 =	simm.s32 @!p0 $0x0  }
0x12: {  	s1 =	sld [smem:$0x3F9B];
	s0 =	simm.s32 @p0 $0x1  }
0x13: {  	[smem:$0x3FB6] =	sst s0;
	s0 =	simm.s32 @!p1 $0x0  }
0x14: {  	s2 =	sld [smem:$0x3F9A];
	s0 =	simm.s32 @p1 $0x1  }
0x15: {  	[smem:$0x3FB7] =	sst s0;
	s0 =	simm.s32 @!p2 $0x0  }
0x16: {  	s3 =	sld [smem:$0x3FDB];
	s0 =	simm.s32 @p2 $0x1  }
0x17: {  	s4 =	simm.s32 $0x1BF5;
	[smem:$0x3FB9] =	sst s0  }
0x18: {  	s0 =	sld [smem:$0x3F9C];
	_ =	swait.ge [sflag:s4], $0x0  }
0x19: {  	s7 =	sld [smem:$0x3F9D]  }
0x1a: {  	s8 =	sadd.s32 $0xFFFFE003, lr  }
0x1b: {  	s9 =	sadd.s32 $0xFFFFFEF7, lr;
	s5 =	simm.s32 $0xFFFFFFFF;
	p2 =	slt.u32 s8, $0xFFFFF086  }
0x1c: {  	p1 =	slt.u32 s9, $0xF7A;
	s5 =	simm.s32 @!p2 $0x0  }
0x1d: {  	s5 =	simm.s32 @p1 $0x1;
	p0 =	seq.s32 s7, s2  }
0x1e: {  	s7 =	smul.u32 @!p0 $0xF7A, s2;
	p2 =	seq.s32 @!p0 s5, $0x0  }
0x1f: {  	s9 =	smul.u32 $0xF7A, s1;
	s8 =	simm.s32 @!p0 $0x1BF5;
	p2 =	por !p2, p0  }
0x20: {  	[sflag:s8] =	ssyncset.s32 @!p0 $0xFFFFF086;
	s6 =	sadd.s32 @!p0 s3, s7;
	s7 =	simm.s32 @!p0 $0x108  }
0x21: {  	s3 =	sadd.s32 s3, s9;
	s6 =	sadd.s32 @!p0 $0x88, s6;
	s7 =	simm.s32 @p2 $0x1082  }
0x22: {  	[simem:s7], [sflag:s8] =	dma.local @!p0 [hbm:s6], $0xF7A  }
0x23: {  	s9 =	sor.u32 $0xD0000000, s2;
	s6 =	simm.s32 $0x108;
	_ =	swait.ge @!p0 [sflag:s8], $0x0  }
0x24: {  	s3 =	sadd.s32 $0x88, s3;
	s6 =	simm.s32 @!p1 $0x1082;
	[sflag:s4] =	ssyncset.s32 $0xFFFFF086  }
0x25: {  	[simem:s6], [sflag:s4] =	dma.local [hbm:s3], $0xF7A  }
0x26: {  	[smem:$0x3F9D] =	sst s1;
	(tag) =	ssettag s2;
	_ =	strace s9  }
0x27: {  	s1 =	sld [smem:$0x3FAD]  }
0x28: {  	s2 =	sld [smem:$0x3FAE]  }
0x29: {  	s4 =	sld [smem:$0x3FB0]  }
0x2a: {  	p0 =	seq.s32 s5, $0x0;
	s5 =	sld [smem:$0x3FB1]  }
0x2b: {  	s6 =	sld [smem:$0x3FB2]  }
0x2c: {  	s7 =	sld [smem:$0x3FB3]  }
0x2d: {  	s3 =	simm.s32 $0x108;
	s8 =	sld [smem:$0x3FB4]  }
0x2e: {  	s3 =	simm.s32 @!p0 $0x1082;
	s9 =	sld [smem:$0x3FB5]  }
0x2f: {  	lr =	sadd.s32 s0, s3;
	s0 =	sld [smem:$0x3FAC]  }
0x30: {  	s3 =	sld [smem:$0x3FAF]  }
0x31: {  	[smem:$0x3FB8] =	sst s10  }
0x32: {  	s10 =	sld [smem:$0x3FB6];
	_ =	sdelay $0x3  }
0x33: {  	p0 =	seq.s32 s10, $0x1;
	s10 =	sld [smem:$0x3FB8];
	_ =	sdelay $0x3  }
0x34: {  	[smem:$0x3FB8] =	sst s10  }
0x35: {  	s10 =	sld [smem:$0x3FB7];
	_ =	sdelay $0x3  }
0x36: {  	p1 =	seq.s32 s10, $0x1;
	s10 =	sld [smem:$0x3FB8];
	_ =	sdelay $0x3  }
0x37: {  	[smem:$0x3FB8] =	sst s10  }
0x38: {  	s10 =	sld [smem:$0x3FB9]  }
0x39: {  	_ = 	snop;
	(pc) =	sbr.ind lr, $3  }
0x3a: {  	_ = 	snop  }
0x3b: {  	_ = 	snop  }
0x3c: {  	p2 =	seq.s32 s10, $0x1;
	s10 =	sld [smem:$0x3FB8]  }
0x3d: {  	_ =	shalt  }
0x3e: {  	_ =	shalt  }
0x3f: {  	_ =	shalt  }
0x40: {  	_ =	shalt  }
0x41: {  	_ =	shalt  }
0x42: {  	_ =	shalt  }
0x43: {  	_ =	shalt  }
0x44: {  	_ =	shalt  }
0x45: {  	_ =	shalt  }
0x46: {  	_ =	shalt  }
0x47: {  	_ =	shalt  }
0x48: {  	_ =	shalt  }
0x49: {  	_ =	shalt  }
0x4a: {  	_ =	shalt  }
0x4b: {  	_ =	shalt  }
0x4c: {  	_ =	shalt  }
0x4d: {  	_ =	shalt  }
0x4e: {  	_ =	shalt  }
0x4f: {  	_ =	shalt  }
0x50: {  	_ =	shalt  }
0x51: {  	_ =	shalt  }
0x52: {  	_ =	shalt  }
0x53: {  	_ =	shalt  }
0x54: {  	_ =	shalt  }
0x55: {  	_ =	shalt  }
0x56: {  	_ =	shalt  }
0x57: {  	_ =	shalt  }
0x58: {  	_ =	shalt  }
0x59: {  	_ =	shalt  }
0x5a: {  	_ =	shalt  }
0x5b: {  	_ =	shalt  }
0x5c: {  	_ =	shalt  }
0x5d: {  	_ =	shalt  }
0x5e: {  	_ =	shalt  }
0x5f: {  	_ =	shalt  }
0x60: {  	_ =	shalt  }
0x61: {  	_ =	shalt  }
0x62: {  	_ =	shalt  }
0x63: {  	_ =	shalt  }
0x64: {  	_ =	shalt  }
0x65: {  	_ =	shalt  }
0x66: {  	_ =	shalt  }
0x67: {  	_ =	shalt  }
0x68: {  	_ =	shalt  }
0x69: {  	_ =	shalt  }
0x6a: {  	_ =	shalt  }
0x6b: {  	_ =	shalt  }
0x6c: {  	_ =	shalt  }
0x6d: {  	_ =	shalt  }
0x6e: {  	_ =	shalt  }
0x6f: {  	_ =	shalt  }
0x70: {  	_ =	shalt  }
0x71: {  	_ =	shalt  }
0x72: {  	_ =	shalt  }
0x73: {  	_ =	shalt  }
0x74: {  	_ =	shalt  }
0x75: {  	_ =	shalt  }
0x76: {  	_ =	shalt  }
0x77: {  	_ =	shalt  }
0x78: {  	_ =	shalt  }
0x79: {  	_ =	shalt  }
0x7a: {  	_ =	shalt  }
0x7b: {  	_ =	shalt  }
0x7c: {  	_ =	shalt  }
0x7d: {  	_ =	shalt  }
0x7e: {  	_ =	shalt  }
0x7f: {  	_ =	shalt  }
0x80: {  	_ =	shalt  }
0x81: {  	_ =	shalt  }
0x82: {  	_ =	shalt  }
0x83: {  	_ =	shalt  }
0x84: {  	_ =	shalt  }
0x85: {  	_ =	shalt  }
0x86: {  	_ =	shalt  }
0x87: {  	_ =	shalt  }
.Lfunc_end0:
.L_simem_size_0:
called_computation_lowered:
.L_overlay_start_0:
0x88: {  	s2 =	sld [smem:$0x3FD9]  }
0x89: {  	s3 =	sld [smem:$0x3FFE];
	_ =	sdelay $0x1  }
0x8a: {  	s1 =	srdreg.scid  }
0x8b: {  	s0 =	sand.u32 $0x1, s1  }
0x8c: {  	s17 =	sshll.u32 s0, $0xA;
	s2 =	sadd.s32 s3, s2  }
0x8d: {  	s2 =	sadd.s32 s2, s17  }
0x8e: {  	[smem:$0x3FC4] =	sst s2  }
0x8f: {  	_ = 	snop  }
0x90: {  	s2 =	sld [smem:$0x3FD0];
	(tm) =	ssettm $0x1  }
0x91: {  	s18 =	sld [smem:$0x3FFB];
	_ =	sdelay $0x3  }
0x92: {  	_ =	strace s18  }
0x93: {  	s3 =	sld [smem:$0x3FFC];
	_ =	sdelay $0x3  }
0x94: {  	_ =	strace s3  }
0x95: {  	s3 =	sld [smem:$0x3FFD];
	_ =	sdelay $0x3  }
0x96: {  	_ =	strace s3  }
0x97: {  	_ =	strace $0x8FFFFFFF  }
0x98: {  	s19 =	sld [smem:$0x3FDB];
	_ =	sdelay $0x1  }
0x99: {  	s4 =	simm.s32 $_scs_section_size  }
0x9a: {  	s5 =	simm.s32 $_size__tile_overlayer_lowered;
	s6 =	simm.s32 $_tile_overlayer_lowered  }
0x9b: {  	s22 =	simm.s32 $0x1BFF;
	s21 =	sshll.u32 s6, $0x1;
	s3 =	sadd.s32 s4, s19  }
0x9c: {  	s7 =	simm.s32 $0x0;
	s20 =	sshll.u32 s5, $0x1;
	s5 =	sadd.s32 s21, s3  }
0x9d: {  	[timem:s7], [sflag:s22] =	dma.local [hbm:s5], s20  }
0x9e: {  	_ =	swait.ge [sflag:s22], s20  }
0x9f: {  	s4 =	ssub.s32 $0x0, s20;
	[sflag:s22] =	ssyncset.done $0x0  }
0xa0: {  	[sflag:s22] =	ssyncadd.s32 s4;
	_ =	sdelay $0x1  }
0xa1: {  	s23 =	simm.s32 $0x1B8B  }
0xa2: {  	_ =	swait.ge [sflag:s23], $0x1  }
0xa3: {  	[sflag:s23] =	ssyncset.done $0x0  }
0xa4: {  	s25 =	simm.s32 $0x1B8E;
	s24 =	sld [smem:$0x3FFE];
	[sflag:s23] =	ssyncadd.s32 $0xFFFFFFFF  }
0xa5: {  	s26 =	simm.s32 $execute0_lowered;
	[smem:$0x3FD2] =	sst s25  }
0xa6: {  	s5 =	sshll.u32 s26, $0x1;
	_ =	strace $0x80000046;
	[dreg:$0x1] =	wrdreg $0xFFFFFFFF  }
0xa7: {  	s28 =	simm.s32 $_size_execute0_lowered;
	s3 =	sadd.s32 s3, s5;
	[dreg:$0x0] =	wrdreg $0x0  }
0xa8: {  	s5 =	sshll.u32 s28, $0x1;
	[dreg:$0x2] =	wrdreg s3  }
0xa9: {  	[dreg:$0x3] =	wrdreg s5  }
0xaa: {  	[dreg:$0x4] =	wrdreg $0xC0  }
0xab: {  	_ =	task [dreg:s7], $0x5FFFF  }
0xac: {  	[dreg:$0x1] =	wrdreg $0xFFFFFFFF  }
0xad: {  	[dreg:$0x0] =	wrdreg $0x60  }
0xae: {  	[dreg:$0x2] =	wrdreg s24  }
0xaf: {  	[dreg:$0x3] =	wrdreg s2  }
0xb0: {  	[dreg:$0x4] =	wrdreg $0x43000  }
0xb1: {  	[dreg:$0x5] =	wrdreg $0x9  }
0xb2: {  	_ =	task.clear_ibuf [dreg:s7], $0x6FFFF;
	_ =	strace $0x90000046  }
0xb3: {  	s29 =	simm.s32 $0x9;
	_ =	strace $0x80000048  }
0xb4: {  	_ =	swait.ge [sflag:s29], $0x1  }
0xb5: {  	[sflag:s29] =	ssyncadd.s32 $0xFFFFFFFF  }
0xb6: {  	_ =	strace $0x90000048  }
0xb7: {  	_ =	sfence  }
0xb8: {  	s30 =	sld [smem:$0x0];
	_ =	sdelay $0x2  }
0xb9: {  	s31 =	sshll.u32 s1, $0xD;
	s1 =	sshrl.u32 s1, $0x2  }
0xba: {  	s3 =	sand.u32 $0x4000, s31;
	s1 =	sadd.s32 s1, s30  }
0xbb: {  	s0 =	sor.u32 s3, s0;
	s1 =	sshll.u32 s1, $0x11  }
0xbc: {  	s0 =	sor.u32 s1, s0  }
0xbd: {  	s0 =	sadd.s32 $0x8F2B, s0  }
0xbe: {  	[sflag:s0] =	ssyncadd.remote.s32 $0x1  }
0xbf: {  	_ =	sfence.sel $0xFFFF  }
0xc0: {  	[dreg:$0x0] =	wrdreg $0xFFFFFFFF;
	(pc) =	sbr.abs _section_cstart, $3  }
0xc1: {  	[dreg:$0x1] =	wrdreg $0xFFFFFFFF  }
0xc2: {  	_ =	task.clear_ibuf [dreg:s7], $0x2FFFF;
	_ =	strace $0x9FFFFFFF  }
0xc3: {  	(tm) =	ssettm $0x7FFFFFFF  }
tec
execute0_lowered:
.L_overlay_start_1:
0x0: {  	(tag) =	ssettag $0x1  }
0x1: {  	s4 =	rddreg [dreg:$0x0]  }
0x2: {  	s6 =	rddreg [dreg:$0x1]  }
0x3: {  	s2 =	rddreg [dreg:$0x2]  }
0x4: {  	s0 =	rddreg [dreg:$0x3];
	s3 =	simm.s32 $0x0  }
0x5: {  	s1 =	stileid.u32;
	s5 =	srdreg.scid;
	s12 =	simm.s32 $0x1  }
0x6: {  	s15 =	simm.s32 $0x20;
	s16 =	simm.s32 $0x10;
	s17 =	simm.s32 $0x0  }
0x7: {  	[smem:$0x7FF] =	sst s3;
	s7 =	sshll.u32 s1, $0xB;
	s8 =	smul.u32 $0x500, s1  }
0x8: {  	s5 =	sand.u32 $0x1, s5;
	s10 =	smul.u32 $0xA00, s1;
	s13 =	sshll.u32 s1, $0x6  }
0x9: {  	_ =	strace $0x80000047;
	s4 =	sadd.s32 s7, s4;
	s30 =	ssub.s32 $0x2, s5  }
0xa: {  	s11 =	sshll.u32 s5, $0x7;
	s5 =	sshll.u32 s5, $0xF;
	s13 =	sor.u32 $0x1C02, s13  }
0xb: {  	s9 =	sshrl.u32 s30, $0x1;
	s8 =	sor.u32 s11, s8;
	s4 =	sadd.s32 s5, s4  }
0xc: {  	s31 =	sshrl.u32 s10, $0x2;
	s10 =	simm.s32 $0x50;
	s11 =	simm.s32 $0x4000  }
0xd: {  	s7 =	ssub.s32 s30, s9;
	s8 =	sshrl.u32 s8, $0x3;
	s4 =	sadd.s32 $0x11E00, s4  }
0xe: {  	s5 =	sadd.s32 s31, s2;
	s9 =	simm.s32 $0x4080;
	s6 =	sadd.s32 s6, s8  }
0xf: {  	v0 =	vimm.f32 $0.0e+00;
	v1 =	vimm.f32 $1.000000000e+00;
	s7 =	smax.u32 s7, $0x1;
	s8 =	simm.s32 $0x2;
	s14 =	sshrl.u32 s5, $0x3  }
.LBB2_1:
0x10: {  	[tilespmem:$0x4080] =	vst v0  }
0x11: {  	[tilespmem:$0x4090] =	vst v0  }
0x12: {  	[tilespmem:$0x40A0] =	vst v0  }
0x13: {  	[tilespmem:$0x40B0] =	vst v0  }
0x14: {  	[tilespmem:$0x40C0] =	vst v0  }
0x15: {  	[tilespmem:$0x40D0] =	vst v0  }
0x16: {  	[tilespmem:$0x40E0] =	vst v0  }
0x17: {  	[tilespmem:$0x40F0] =	vst v0  }
0x18: {  	[tilespmem:$0x4100] =	vst v0  }
0x19: {  	[tilespmem:$0x4110] =	vst v0  }
0x1a: {  	[tilespmem:$0x4120] =	vst v0  }
0x1b: {  	[tilespmem:$0x4130] =	vst v0  }
0x1c: {  	[tilespmem:$0x4140] =	vst v0  }
0x1d: {  	[tilespmem:$0x4150] =	vst v0  }
0x1e: {  	[tilespmem:$0x4160] =	vst v0  }
0x1f: {  	[tilespmem:$0x4170] =	vst v0  }
0x20: {  	[tilespmem:$0x4180] =	vst v0  }
0x21: {  	[tilespmem:$0x4190] =	vst v0  }
0x22: {  	[tilespmem:$0x41A0] =	vst v0  }
0x23: {  	[tilespmem:$0x41B0] =	vst v0  }
0x24: {  	[tilespmem:$0x41C0] =	vst v0  }
0x25: {  	[tilespmem:$0x41D0] =	vst v0  }
0x26: {  	[tilespmem:$0x41E0] =	vst v0  }
0x27: {  	[tilespmem:$0x41F0] =	vst v0  }
0x28: {  	[tilespmem:$0x4200] =	vst v0  }
0x29: {  	[tilespmem:$0x4210] =	vst v0  }
0x2a: {  	[tilespmem:$0x4220] =	vst v0  }
0x2b: {  	[tilespmem:$0x4230] =	vst v0  }
0x2c: {  	[tilespmem:$0x4240] =	vst v0  }
0x2d: {  	[tilespmem:$0x4250] =	vst v0  }
0x2e: {  	[tilespmem:$0x4260] =	vst v0  }
0x2f: {  	[tilespmem:$0x4270] =	vst v0  }
0x30: {  	[tilespmem:$0x4280] =	vst v0  }
0x31: {  	[tilespmem:$0x4290] =	vst v0  }
0x32: {  	[tilespmem:$0x42A0] =	vst v0  }
0x33: {  	[tilespmem:$0x42B0] =	vst v0  }
0x34: {  	[tilespmem:$0x42C0] =	vst v0  }
0x35: {  	[tilespmem:$0x42D0] =	vst v0  }
0x36: {  	[tilespmem:$0x42E0] =	vst v0  }
0x37: {  	[tilespmem:$0x42F0] =	vst v0  }
0x38: {  	[tilespmem:$0x4000] =	vst v1  }
0x39: {  	[tilespmem:$0x4010] =	vst v1  }
0x3a: {  	[tilespmem:$0x4020] =	vst v1  }
0x3b: {  	[tilespmem:$0x4030] =	vst v1  }
0x3c: {  	[tilespmem:$0x4040] =	vst v1  }
0x3d: {  	[tilespmem:s3], [sflag:$0x2] =	stream.linear.gather [hbm4b:s4+s3], $0x3E80, $0x38;
	[tilespmem:$0x4580] =	vst v63  }
0x3e: {  	_ =	swait.ge [sflag:s8], $0x3E80  }
0x3f: {  	[sflag:s8] =	ssyncset.done $0x0  }
0x40: {  	[sflag:s8] =	ssyncadd.s32 $0xFFFFC180  }
0x41: {  	[spmem:s5] =	stream.linear.scatter [tilespmem:s9], [sflag:$0x2], $0x280, $0x38;
	[tilespmem:$0x4580] =	vst v63  }
0x42: {  	_ =	swait.ge [sflag:s8], $0x280  }
0x43: {  	[sflag:s8] =	ssyncset.done $0x0  }
0x44: {  	[sflag:s8] =	ssyncadd.s32 $0xFFFFFD80  }
0x45: {  	s18 =	simm.s32 $0x0;
	[bflag:$0x0] =	sbarrier.arrive $0xFFFF  }
.LBB2_2:
0x46: {  	p0 =	sne.s32 s18, $0xF800  }
.Ltmp0:
0x47: {  	_ = 	snop;
	(pc) =	sbr.rel @p0 .LBB2_2-.Ltmp0, $3  }
0x48: {  	_ =	sdelay $0x1  }
0x49: {  	s19 =	sshra.s32 s18, $0x2;
	s18 =	sadd.s32 $0x200, s18  }
0x4a: {  	[spmem:s2] =	stream.indirect.scatter.add.f32 [tilespmem:s11], [sflag:$0x1], $0x1, s19, s10, $0xb8;
	[tilespmem:$0x4580] =	vst v63  }
0x4b: {  	_ =	swait.ge [sflag:s12], $0x50  }
0x4c: {  	s18 =	simm.s32 $0x7C;
	[sflag:s12] =	ssyncset.done $0x0  }
.LBB2_4:
0x4d: {  	p0 =	sne.s32 s18, $0x1;
	s18 =	sadd.s32 $0xFFFFFFFF, s18;
	[sflag:s12] =	ssyncadd.s32 $0xFFFFFFB0  }
.Ltmp1:
0x4e: {  	(pc) =	sbr.rel @p0 .LBB2_4-.Ltmp1, $3  }
0x4f: {  	_ =	sdelay $0x1  }
0x50: {  	_ =	swait.ge [sflag:s12], $0x50  }
0x51: {  	[sflag:s12] =	ssyncset.done $0x0  }
0x52: {  	s17 =	sadd.s32 $0x1, s17  }
0x53: {  	[sflag:s12] =	ssyncadd.s32 $0xFFFFFFB0;
	p0 =	sne.s32 s17, s7  }
.Ltmp2:
0x54: {  	[bflag:$0x0] =	sbarrier.arrive $0xFFFF;
	(pc) =	sbr.rel @p0 .LBB2_1-.Ltmp2, $4  }
0x55: {  	[hbm:s6@s15], [sflag:s13] =	dma.strided [spmem:s14@s16], $0x50, s12, $0x10   }
0x56: {  	_ =	swait.ge [sflag:s8], $0x50  }
0x57: {  	[sflag:s8] =	ssyncset.done $0x0  }
0x58: {  	[sflag:s8] =	ssyncadd.s32 $0xFFFFFFB0  }
0x59: {  	_ =	sfence.sel $0x180000  }
0x5a: {  	[bflag:$0x0] =	sbarrier.arrive $0xFFFF  }
0x5b: {  	p0 =	sne.s32 s1, $0x0;
	_ =	strace $0x90000047  }
0x5c: {  	s0 =	sadd.s32 @!p0 $0x100000, s0;
	[bflag:$0x2] =	sbarrier.arrive $0xFFFF  }
0x5d: {  	[sflag:s0] =	ssyncadd.tile.s32 @!p0 $0x1;
	_ =	shalt  }
.Lfunc_end2:
_tile_overlayer_lowered:
.L_overlay_start_2:
0x5e: {  	(tag) =	ssettag $0x2  }
0x5f: {  	s0 =	rddreg [dreg:$0x0];
	s2 =	stileid.u32  }
0x60: {  	s1 =	rddreg [dreg:$0x1];
	p0 =	sne.s32 s2, $0x0  }
0x61: {  	s3 =	rddreg [dreg:$0x2];
	[bflag:$0x3] =	sbarrier.arrive $0xFFFF;
	s2 =	simm.s32 @!p0 $0x1C02  }
0x62: {  	[timem:s3], [sflag:s2] =	dma.local @!p0 [hbm:s0], s1  }
0x63: {  	s0 =	simm.s32 @!p0 $0x2  }
0x64: {  	_ =	swait.ge @!p0 [sflag:s0], s1  }
0x65: {  	s1 =	ssub.s32 @!p0 $0x0, s1;
	[sflag:s0] =	ssyncset.done @!p0 $0x0  }
0x66: {  	[sflag:s0] =	ssyncadd.s32 @!p0 s1  }
0x67: {  	[bflag:$0x3] =	sbarrier.arrive $0xFFFF  }
0x68: {  	_ =	shalt  }

</sc_bundles>
